<compile_context>
chip_gen: v7x
topology: tpu7x:2x2x1
jax: 0.10.2.dev20260603
libtpu: 0.0.44.dev20260713+nightly
codegen_flags: <defaults>
</compile_context>

<pallas_src>
import functools

import numpy as np

import jax
import jax.numpy as jnp
from jax import lax
from jax.experimental import pallas as pl
from jax.experimental.pallas import tpu as pltpu
from jax.experimental.pallas import tpu_sc as plsc

EMB_K = 1024
EMB_D = 64
BT = 2048

SC_NC = 2
SC_NS = 16
SC_NW = SC_NC * SC_NS
SC_CH = 128


def _one_argmin(x, emb2, cn, iotf):
    m2 = jnp.dot(emb2, x, preferred_element_type=jnp.float32)
    rn = jnp.sum(x * x, axis=0, keepdims=True)
    dist = (cn - m2) + rn
    mn = jnp.min(dist, axis=0, keepdims=True)
    idxf = jnp.min(jnp.where(dist == mn, iotf, 2.0 * EMB_K), axis=0)
    return idxf.astype(jnp.int32)


def _argmin_body(x1_ref, x0_ref, e1_ref, e0_ref, cn1_ref, cn0_ref,
                 iotf_ref, o1_ref, o0_ref):
    iotf = iotf_ref[...]
    o1_ref[0, 0, :] = _one_argmin(x1_ref[0], e1_ref[...], cn1_ref[...], iotf)
    o0_ref[0, 0, :] = _one_argmin(x0_ref[0], e0_ref[...], cn0_ref[...], iotf)


def _tc_argmin2(enct1, enct0, emb2_1, emb2_0, cn1, cn0):
    nb, _, nt = enct1.shape[0], enct1.shape[1], enct1.shape[2]
    nj = nt // BT
    xspec = pl.BlockSpec((1, EMB_D, BT), lambda b, j: (b, 0, j))
    espec = pl.BlockSpec((EMB_K, EMB_D), lambda b, j: (0, 0))
    cspec = pl.BlockSpec((EMB_K, 1), lambda b, j: (0, 0))
    ospec = pl.BlockSpec((1, 1, BT), lambda b, j: (b, 0, j))
    oshape = jax.ShapeDtypeStruct((nb, 1, nt), jnp.int32)
    o1, o0 = pl.pallas_call(
        _argmin_body,
        grid=(nb, nj),
        in_specs=[xspec, xspec, espec, espec, cspec, cspec, cspec],
        out_specs=[ospec, ospec],
        out_shape=[oshape, oshape],
    )(enct1, enct0, emb2_1, emb2_0, cn1, cn0,
      jnp.asarray(np.arange(EMB_K, dtype=np.float32)[:, None]))
    return o1.reshape(-1), o0.reshape(-1)


def _sc_gather(table1, table0, idx1, idx0):
    n = idx1.shape[0]
    bw = n // SC_NW
    nch = bw // SC_CH
    mesh = plsc.VectorSubcoreMesh(core_axis_name="c", subcore_axis_name="s")

    @functools.partial(
        pl.kernel,
        mesh=mesh,
        out_type=jax.ShapeDtypeStruct((n, 2 * EMB_D), jnp.float32),
        scratch_types=[
            pltpu.VMEM((bw,), jnp.int32),
            pltpu.VMEM((bw,), jnp.int32),
            pltpu.VMEM((SC_CH, 2 * EMB_D), jnp.float32),
            pltpu.VMEM((SC_CH, 2 * EMB_D), jnp.float32),
            pltpu.VMEM_SHARED((EMB_K, 2 * EMB_D), jnp.float32),
            pltpu.VMEM_SHARED((EMB_K, 2 * EMB_D), jnp.float32),
            pltpu.SemaphoreType.DMA,
            pltpu.SemaphoreType.DMA,
            pltpu.SemaphoreType.DMA,
        ],
    )
    def gather_kernel(t1_hbm, t0_hbm, i1_hbm, i0_hbm, out_hbm,
                      i1_v, i0_v, ba_v, bb_v, t1_sp, t0_sp,
                      sem_g1, sem_g0, sem_w):
        sid = lax.axis_index("s")
        wid = sid * SC_NC + lax.axis_index("c")
        base = wid * bw
        bufs = (ba_v, bb_v)
        @pl.when(sid == 0)
        def _():
            pltpu.sync_copy(t1_hbm, t1_sp)
            pltpu.sync_copy(t0_hbm, t0_sp)
        plsc.subcore_barrier()
        pltpu.sync_copy(i1_hbm.at[pl.ds(base, bw)], i1_v)
        pltpu.sync_copy(i0_hbm.at[pl.ds(base, bw)], i0_v)

        def g1_start(c):
            return pltpu.async_copy(
                t1_sp.at[i1_v.at[pl.ds(c * SC_CH, SC_CH)]],
                bufs[c % 2], sem_g1)

        g1 = g1_start(0)
        writes = [None] * nch
        for c in range(nch):
            b_v = bufs[c % 2]
            g1.wait()
            g0 = pltpu.async_copy(
                t0_sp.at[i0_v.at[pl.ds(c * SC_CH, SC_CH)]],
                b_v, sem_g0, add=True)
            if c + 1 < nch:
                if c >= 1:
                    writes[c - 1].wait()
                g1 = g1_start(c + 1)
            g0.wait()
            writes[c] = pltpu.async_copy(
                b_v, out_hbm.at[pl.ds(base + c * SC_CH, SC_CH)], sem_w)
        writes[nch - 2].wait()
        writes[nch - 1].wait()

    return gather_kernel(table1, table0, idx1, idx0)


def kernel(enc0, enc1, codebook0, codebook1):
    b, t, d = enc0.shape
    f0 = enc0.reshape(-1, d)
    f1 = enc1.reshape(-1, d)
    cn0 = jnp.sum(codebook0 ** 2, axis=1)[:, None]
    cn1 = jnp.sum(codebook1 ** 2, axis=1)[:, None]
    idx1, idx0 = _tc_argmin2(
        jnp.transpose(enc1, (0, 2, 1)), jnp.transpose(enc0, (0, 2, 1)),
        codebook1 * 2.0, codebook0 * 2.0, cn1, cn0)
    table1 = jnp.pad(codebook1, ((0, 0), (0, EMB_D)))
    table0 = jnp.pad(codebook0, ((0, 0), (EMB_D, 0)))
    rows = _sc_gather(table1, table0, idx1, idx0)
    return rows.reshape(b, t, 2 * d)

# --- scband reference (transcript-rebuilt; emitter-appended) ---
"""Pipeline reference for scband-vqvae2-17136919511236 (READ-ONLY COPY).

The authoritative reference and input builder live on the scoring server;
editing this copy changes nothing except your own understanding.
"""

import jax, jax.numpy as jnp
import numpy as np

EMB_SIZE = 1024
EMB_DIM = 64


def _vq_quantize(x, emb):
    # x: [B, T, d], emb: [K, d]  (faithful to Quantizer.vq + forward, eval mode, no EMA)
    B, T, d = x.shape
    flat = x.reshape(-1, d)
    dist = (jnp.sum(emb ** 2, axis=1)
            - 2.0 * flat @ emb.T
            + jnp.sum(flat ** 2, axis=1, keepdims=True))
    qidx = jnp.argmin(dist, axis=1).reshape(B, T)
    onehot = jax.nn.one_hot(qidx, emb.shape[0], dtype=jnp.float32)
    embed_idx = onehot @ emb  # matmul(one_hot, embedding.weight)
    embed_idx_qx = x + jax.lax.stop_gradient(embed_idx - x)  # straight-through
    return embed_idx, embed_idx_qx, qidx


def setup_inputs(seed: int = 0) -> dict:
    key = jax.random.key(seed)
    k1, k2, k3, k4 = jax.random.split(key, 4)
    enc0 = jax.random.normal(k1, (16, 2048, EMB_DIM), dtype=jnp.float32)
    enc1 = jax.random.normal(k2, (16, 2048, EMB_DIM), dtype=jnp.float32)
    # learned codebooks, init uniform(-1/K, 1/K) like nn.Embedding init in Quantizer
    codebook0 = jax.random.uniform(k3, (EMB_SIZE, EMB_DIM), minval=-1.0 / EMB_SIZE, maxval=1.0 / EMB_SIZE, dtype=jnp.float32)
    codebook1 = jax.random.uniform(k4, (EMB_SIZE, EMB_DIM), minval=-1.0 / EMB_SIZE, maxval=1.0 / EMB_SIZE, dtype=jnp.float32)
    return {"enc0": enc0, "enc1": enc1, "codebook0": codebook0, "codebook1": codebook1}


def reference(enc0, enc1, codebook0, codebook1):
    # VQVAE2.decode quantization path over the 2 VQ stacks (reversed order, n=1 then n=0),
    # returning the concatenated straight-through quantized latents that feed the bottom decoder
    _, qx1, qidx1 = _vq_quantize(enc1, codebook1)
    _, qx0, qidx0 = _vq_quantize(enc0, codebook0)
    out = jnp.concatenate([qx1, qx0], axis=-1)  # [B, T, 2*d], cat(emb_idx_qxs, dim=channel)
    return out

if __name__ == "__main__":
    import jax
    _d = setup_inputs()
    print(jax.jit(kernel)(*tuple(_d.values())))

</pallas_src>

<mosaic_0001>
#map = affine_map<(d0, d1) -> (0, 0)>
#map1 = affine_map<(d0, d1) -> (0)>
module attributes {stable_mosaic.version = 14 : i64} {
  func.func @gather_kernel(%arg0: i32, %arg1: i32, %arg2: memref<1024x128xf32, #tpu.memory_space<hbm>>, %arg3: memref<1024x128xf32, #tpu.memory_space<hbm>>, %arg4: memref<32768xi32, #tpu.memory_space<hbm>>, %arg5: memref<32768xi32, #tpu.memory_space<hbm>>, %arg6: memref<32768x128xf32, #tpu.memory_space<hbm>>, %arg7: memref<1024xi32, #tpu.memory_space<vmem>>, %arg8: memref<1024xi32, #tpu.memory_space<vmem>>, %arg9: memref<128x128xf32, #tpu.memory_space<vmem>>, %arg10: memref<128x128xf32, #tpu.memory_space<vmem>>, %arg11: memref<1024x128xf32, #tpu.memory_space<vmem_shared>>, %arg12: memref<1024x128xf32, #tpu.memory_space<vmem_shared>>, %arg13: memref<!tpu.dma_semaphore, #tpu.memory_space<semaphore_mem>>, %arg14: memref<!tpu.dma_semaphore, #tpu.memory_space<semaphore_mem>>, %arg15: memref<!tpu.dma_semaphore, #tpu.memory_space<semaphore_mem>>) attributes {dimension_semantics = [#tpu.dimension_semantics<core_parallel>, #tpu.dimension_semantics<subcore_parallel>], iteration_bounds = array<i64: 2, 16>, scalar_prefetch = 0 : i64, scratch_operands = 9 : i64, tpu.core_type = #tpu.core_type<sc_vector_subcore>, window_params = [{transform_indices = #map}, {transform_indices = #map}, {transform_indices = #map1}, {transform_indices = #map1}, {transform_indices = #map}]} {
    %mul3A = arith.constant 2 : i32
    %mul3A_0 = arith.muli %arg1, %mul3A : i32
    %add3A = arith.addi %mul3A_0, %arg0 : i32
    %mul3A_1 = arith.constant 1024 : i32
    %mul3A_2 = arith.muli %add3A, %mul3A_1 : i32
    %eq3A = arith.constant 0 : i32
    %eq3A_3 = arith.cmpi eq, %arg1, %eq3A : i32
    %convert_element_type3A = arith.extui %eq3A_3 : i1 to i32
    %cond3A = arith.constant 0 : i32
    %cond3A_4 = arith.cmpi ne, %convert_element_type3A, %cond3A : i32
    scf.if %cond3A_4 {
      "tpu.region"() ({
        %run_scoped3A = tpu.sem_alloc : memref<!tpu.dma_semaphore, #tpu.memory_space<semaphore_mem>>
        tpu.enqueue_dma source(%arg2 : memref<1024x128xf32, #tpu.memory_space<hbm>>) target(%arg11 : memref<1024x128xf32, #tpu.memory_space<vmem_shared>>) target_semaphore(%run_scoped3A : memref<!tpu.dma_semaphore, #tpu.memory_space<semaphore_mem>>)
        tpu.wait_dma2 semaphore(%run_scoped3A : memref<!tpu.dma_semaphore, #tpu.memory_space<semaphore_mem>>) src(%arg2 : memref<1024x128xf32, #tpu.memory_space<hbm>>) dst(%arg11 : memref<1024x128xf32, #tpu.memory_space<vmem_shared>>)
        tpu.yield
      }) : () -> ()
      "tpu.region"() ({
        %run_scoped3A = tpu.sem_alloc : memref<!tpu.dma_semaphore, #tpu.memory_space<semaphore_mem>>
        tpu.enqueue_dma source(%arg3 : memref<1024x128xf32, #tpu.memory_space<hbm>>) target(%arg12 : memref<1024x128xf32, #tpu.memory_space<vmem_shared>>) target_semaphore(%run_scoped3A : memref<!tpu.dma_semaphore, #tpu.memory_space<semaphore_mem>>)
        tpu.wait_dma2 semaphore(%run_scoped3A : memref<!tpu.dma_semaphore, #tpu.memory_space<semaphore_mem>>) src(%arg3 : memref<1024x128xf32, #tpu.memory_space<hbm>>) dst(%arg12 : memref<1024x128xf32, #tpu.memory_space<vmem_shared>>)
        tpu.yield
      }) : () -> ()
    } else {
    }
    %barrier3A = arith.constant 0 : index
    tpu.barrier barrier_id(%barrier3A)
    "tpu.region"() ({
      %run_scoped3A = tpu.sem_alloc : memref<!tpu.dma_semaphore, #tpu.memory_space<semaphore_mem>>
      %dma_start3A_243 = tpu.memref_slice %arg4[%mul3A_2] : memref<32768xi32, #tpu.memory_space<hbm>> -> memref<1024xi32, #tpu.memory_space<hbm>>
      %dma_start3A_244 = tpu.memref_slice %arg4[%mul3A_2] : memref<32768xi32, #tpu.memory_space<hbm>> -> memref<1024xi32, #tpu.memory_space<hbm>>
      tpu.enqueue_dma source(%dma_start3A_244 : memref<1024xi32, #tpu.memory_space<hbm>>) target(%arg7 : memref<1024xi32, #tpu.memory_space<vmem>>) target_semaphore(%run_scoped3A : memref<!tpu.dma_semaphore, #tpu.memory_space<semaphore_mem>>)
      %dma_wait3A_245 = tpu.memref_slice %arg4[%mul3A_2] : memref<32768xi32, #tpu.memory_space<hbm>> -> memref<1024xi32, #tpu.memory_space<hbm>>
      %dma_wait3A_246 = tpu.memref_slice %arg4[%mul3A_2] : memref<32768xi32, #tpu.memory_space<hbm>> -> memref<1024xi32, #tpu.memory_space<hbm>>
      tpu.wait_dma2 semaphore(%run_scoped3A : memref<!tpu.dma_semaphore, #tpu.memory_space<semaphore_mem>>) src(%dma_wait3A_246 : memref<1024xi32, #tpu.memory_space<hbm>>) dst(%arg7 : memref<1024xi32, #tpu.memory_space<vmem>>)
      tpu.yield
    }) : () -> ()
    "tpu.region"() ({
      %run_scoped3A = tpu.sem_alloc : memref<!tpu.dma_semaphore, #tpu.memory_space<semaphore_mem>>
      %dma_start3A_243 = tpu.memref_slice %arg5[%mul3A_2] : memref<32768xi32, #tpu.memory_space<hbm>> -> memref<1024xi32, #tpu.memory_space<hbm>>
      %dma_start3A_244 = tpu.memref_slice %arg5[%mul3A_2] : memref<32768xi32, #tpu.memory_space<hbm>> -> memref<1024xi32, #tpu.memory_space<hbm>>
      tpu.enqueue_dma source(%dma_start3A_244 : memref<1024xi32, #tpu.memory_space<hbm>>) target(%arg8 : memref<1024xi32, #tpu.memory_space<vmem>>) target_semaphore(%run_scoped3A : memref<!tpu.dma_semaphore, #tpu.memory_space<semaphore_mem>>)
      %dma_wait3A_245 = tpu.memref_slice %arg5[%mul3A_2] : memref<32768xi32, #tpu.memory_space<hbm>> -> memref<1024xi32, #tpu.memory_space<hbm>>
      %dma_wait3A_246 = tpu.memref_slice %arg5[%mul3A_2] : memref<32768xi32, #tpu.memory_space<hbm>> -> memref<1024xi32, #tpu.memory_space<hbm>>
      tpu.wait_dma2 semaphore(%run_scoped3A : memref<!tpu.dma_semaphore, #tpu.memory_space<semaphore_mem>>) src(%dma_wait3A_246 : memref<1024xi32, #tpu.memory_space<hbm>>) dst(%arg8 : memref<1024xi32, #tpu.memory_space<vmem>>)
      tpu.yield
    }) : () -> ()
    %dma_start3A = arith.constant 0 : i32
    %dma_start3A_5 = tpu.memref_slice %arg7[%dma_start3A] : memref<1024xi32, #tpu.memory_space<vmem>> -> memref<128xi32, #tpu.memory_space<vmem>>
    %dma_start3A_6 = arith.constant 0 : i32
    %dma_start3A_7 = arith.constant 0 : i32
    %dma_start3A_8 = tpu.memref_slice %arg11[%dma_start3A_6, %dma_start3A_7] : memref<1024x128xf32, #tpu.memory_space<vmem_shared>> -> memref<1024x128xf32, #tpu.memory_space<vmem_shared>>
    tpu.enqueue_indirect_dma source(%dma_start3A_8 : memref<1024x128xf32, #tpu.memory_space<vmem_shared>>) target(%arg9 : memref<128x128xf32, #tpu.memory_space<vmem>>) offsets(%dma_start3A_5 : memref<128xi32, #tpu.memory_space<vmem>>) semaphore(%arg13 : memref<!tpu.dma_semaphore, #tpu.memory_space<semaphore_mem>>)
    %dma_wait3A = arith.constant 0 : i32
    %dma_wait3A_9 = tpu.memref_slice %arg7[%dma_wait3A] : memref<1024xi32, #tpu.memory_space<vmem>> -> memref<128xi32, #tpu.memory_space<vmem>>
    %dma_wait3A_10 = arith.constant 0 : i32
    %dma_wait3A_11 = arith.constant 0 : i32
    %dma_wait3A_12 = tpu.memref_slice %arg11[%dma_wait3A_10, %dma_wait3A_11] : memref<1024x128xf32, #tpu.memory_space<vmem_shared>> -> memref<1024x128xf32, #tpu.memory_space<vmem_shared>>
    tpu.wait_indirect_dma semaphore(%arg13 : memref<!tpu.dma_semaphore, #tpu.memory_space<semaphore_mem>>) src(%dma_wait3A_12 : memref<1024x128xf32, #tpu.memory_space<vmem_shared>>) dst(%arg9 : memref<128x128xf32, #tpu.memory_space<vmem>>)
    %dma_start3A_13 = arith.constant 0 : i32
    %dma_start3A_14 = tpu.memref_slice %arg8[%dma_start3A_13] : memref<1024xi32, #tpu.memory_space<vmem>> -> memref<128xi32, #tpu.memory_space<vmem>>
    %dma_start3A_15 = arith.constant 0 : i32
    %dma_start3A_16 = arith.constant 0 : i32
    %dma_start3A_17 = tpu.memref_slice %arg12[%dma_start3A_15, %dma_start3A_16] : memref<1024x128xf32, #tpu.memory_space<vmem_shared>> -> memref<1024x128xf32, #tpu.memory_space<vmem_shared>>
    tpu.enqueue_indirect_dma source(%dma_start3A_17 : memref<1024x128xf32, #tpu.memory_space<vmem_shared>>) target(%arg9 : memref<128x128xf32, #tpu.memory_space<vmem>>) offsets(%dma_start3A_14 : memref<128xi32, #tpu.memory_space<vmem>>) semaphore(%arg14 : memref<!tpu.dma_semaphore, #tpu.memory_space<semaphore_mem>>) {add = true}
    %dma_start3A_18 = arith.constant 128 : i32
    %dma_start3A_19 = tpu.memref_slice %arg7[%dma_start3A_18] : memref<1024xi32, #tpu.memory_space<vmem>> -> memref<128xi32, #tpu.memory_space<vmem>>
    %dma_start3A_20 = arith.constant 0 : i32
    %dma_start3A_21 = arith.constant 0 : i32
    %dma_start3A_22 = tpu.memref_slice %arg11[%dma_start3A_20, %dma_start3A_21] : memref<1024x128xf32, #tpu.memory_space<vmem_shared>> -> memref<1024x128xf32, #tpu.memory_space<vmem_shared>>
    tpu.enqueue_indirect_dma source(%dma_start3A_22 : memref<1024x128xf32, #tpu.memory_space<vmem_shared>>) target(%arg10 : memref<128x128xf32, #tpu.memory_space<vmem>>) offsets(%dma_start3A_19 : memref<128xi32, #tpu.memory_space<vmem>>) semaphore(%arg13 : memref<!tpu.dma_semaphore, #tpu.memory_space<semaphore_mem>>)
    %dma_wait3A_23 = arith.constant 0 : i32
    %dma_wait3A_24 = tpu.memref_slice %arg8[%dma_wait3A_23] : memref<1024xi32, #tpu.memory_space<vmem>> -> memref<128xi32, #tpu.memory_space<vmem>>
    %dma_wait3A_25 = arith.constant 0 : i32
    %dma_wait3A_26 = arith.constant 0 : i32
    %dma_wait3A_27 = tpu.memref_slice %arg12[%dma_wait3A_25, %dma_wait3A_26] : memref<1024x128xf32, #tpu.memory_space<vmem_shared>> -> memref<1024x128xf32, #tpu.memory_space<vmem_shared>>
    tpu.wait_indirect_dma semaphore(%arg14 : memref<!tpu.dma_semaphore, #tpu.memory_space<semaphore_mem>>) src(%dma_wait3A_27 : memref<1024x128xf32, #tpu.memory_space<vmem_shared>>) dst(%arg9 : memref<128x128xf32, #tpu.memory_space<vmem>>)
    %add3A_28 = arith.constant 0 : i32
    %add3A_29 = arith.addi %mul3A_2, %add3A_28 : i32
    %dma_start3A_30 = arith.constant 0 : i32
    %dma_start3A_31 = tpu.memref_slice %arg6[%add3A_29, %dma_start3A_30] : memref<32768x128xf32, #tpu.memory_space<hbm>> -> memref<128x128xf32, #tpu.memory_space<hbm>>
    %dma_start3A_32 = arith.constant 0 : i32
    %dma_start3A_33 = tpu.memref_slice %arg6[%add3A_29, %dma_start3A_32] : memref<32768x128xf32, #tpu.memory_space<hbm>> -> memref<128x128xf32, #tpu.memory_space<hbm>>
    tpu.enqueue_dma source(%arg9 : memref<128x128xf32, #tpu.memory_space<vmem>>) target(%dma_start3A_33 : memref<128x128xf32, #tpu.memory_space<hbm>>) target_semaphore(%arg15 : memref<!tpu.dma_semaphore, #tpu.memory_space<semaphore_mem>>)
    %dma_wait3A_34 = arith.constant 128 : i32
    %dma_wait3A_35 = tpu.memref_slice %arg7[%dma_wait3A_34] : memref<1024xi32, #tpu.memory_space<vmem>> -> memref<128xi32, #tpu.memory_space<vmem>>
    %dma_wait3A_36 = arith.constant 0 : i32
    %dma_wait3A_37 = arith.constant 0 : i32
    %dma_wait3A_38 = tpu.memref_slice %arg11[%dma_wait3A_36, %dma_wait3A_37] : memref<1024x128xf32, #tpu.memory_space<vmem_shared>> -> memref<1024x128xf32, #tpu.memory_space<vmem_shared>>
    tpu.wait_indirect_dma semaphore(%arg13 : memref<!tpu.dma_semaphore, #tpu.memory_space<semaphore_mem>>) src(%dma_wait3A_38 : memref<1024x128xf32, #tpu.memory_space<vmem_shared>>) dst(%arg10 : memref<128x128xf32, #tpu.memory_space<vmem>>)
    %dma_start3A_39 = arith.constant 128 : i32
    %dma_start3A_40 = tpu.memref_slice %arg8[%dma_start3A_39] : memref<1024xi32, #tpu.memory_space<vmem>> -> memref<128xi32, #tpu.memory_space<vmem>>
    %dma_start3A_41 = arith.constant 0 : i32
    %dma_start3A_42 = arith.constant 0 : i32
    %dma_start3A_43 = tpu.memref_slice %arg12[%dma_start3A_41, %dma_start3A_42] : memref<1024x128xf32, #tpu.memory_space<vmem_shared>> -> memref<1024x128xf32, #tpu.memory_space<vmem_shared>>
    tpu.enqueue_indirect_dma source(%dma_start3A_43 : memref<1024x128xf32, #tpu.memory_space<vmem_shared>>) target(%arg10 : memref<128x128xf32, #tpu.memory_space<vmem>>) offsets(%dma_start3A_40 : memref<128xi32, #tpu.memory_space<vmem>>) semaphore(%arg14 : memref<!tpu.dma_semaphore, #tpu.memory_space<semaphore_mem>>) {add = true}
    %dma_wait3A_44 = arith.constant 0 : i32
    %dma_wait3A_45 = tpu.memref_slice %arg6[%add3A_29, %dma_wait3A_44] : memref<32768x128xf32, #tpu.memory_space<hbm>> -> memref<128x128xf32, #tpu.memory_space<hbm>>
    %dma_wait3A_46 = arith.constant 0 : i32
    %dma_wait3A_47 = tpu.memref_slice %arg6[%add3A_29, %dma_wait3A_46] : memref<32768x128xf32, #tpu.memory_space<hbm>> -> memref<128x128xf32, #tpu.memory_space<hbm>>
    tpu.wait_dma2 semaphore(%arg15 : memref<!tpu.dma_semaphore, #tpu.memory_space<semaphore_mem>>) src(%arg9 : memref<128x128xf32, #tpu.memory_space<vmem>>) dst(%dma_wait3A_47 : memref<128x128xf32, #tpu.memory_space<hbm>>)
    %dma_start3A_48 = arith.constant 256 : i32
    %dma_start3A_49 = tpu.memref_slice %arg7[%dma_start3A_48] : memref<1024xi32, #tpu.memory_space<vmem>> -> memref<128xi32, #tpu.memory_space<vmem>>
    %dma_start3A_50 = arith.constant 0 : i32
    %dma_start3A_51 = arith.constant 0 : i32
    %dma_start3A_52 = tpu.memref_slice %arg11[%dma_start3A_50, %dma_start3A_51] : memref<1024x128xf32, #tpu.memory_space<vmem_shared>> -> memref<1024x128xf32, #tpu.memory_space<vmem_shared>>
    tpu.enqueue_indirect_dma source(%dma_start3A_52 : memref<1024x128xf32, #tpu.memory_space<vmem_shared>>) target(%arg9 : memref<128x128xf32, #tpu.memory_space<vmem>>) offsets(%dma_start3A_49 : memref<128xi32, #tpu.memory_space<vmem>>) semaphore(%arg13 : memref<!tpu.dma_semaphore, #tpu.memory_space<semaphore_mem>>)
    %dma_wait3A_53 = arith.constant 128 : i32
    %dma_wait3A_54 = tpu.memref_slice %arg8[%dma_wait3A_53] : memref<1024xi32, #tpu.memory_space<vmem>> -> memref<128xi32, #tpu.memory_space<vmem>>
    %dma_wait3A_55 = arith.constant 0 : i32
    %dma_wait3A_56 = arith.constant 0 : i32
    %dma_wait3A_57 = tpu.memref_slice %arg12[%dma_wait3A_55, %dma_wait3A_56] : memref<1024x128xf32, #tpu.memory_space<vmem_shared>> -> memref<1024x128xf32, #tpu.memory_space<vmem_shared>>
    tpu.wait_indirect_dma semaphore(%arg14 : memref<!tpu.dma_semaphore, #tpu.memory_space<semaphore_mem>>) src(%dma_wait3A_57 : memref<1024x128xf32, #tpu.memory_space<vmem_shared>>) dst(%arg10 : memref<128x128xf32, #tpu.memory_space<vmem>>)
    %add3A_58 = arith.constant 128 : i32
    %add3A_59 = arith.addi %mul3A_2, %add3A_58 : i32
    %dma_start3A_60 = arith.constant 0 : i32
    %dma_start3A_61 = tpu.memref_slice %arg6[%add3A_59, %dma_start3A_60] : memref<32768x128xf32, #tpu.memory_space<hbm>> -> memref<128x128xf32, #tpu.memory_space<hbm>>
    %dma_start3A_62 = arith.constant 0 : i32
    %dma_start3A_63 = tpu.memref_slice %arg6[%add3A_59, %dma_start3A_62] : memref<32768x128xf32, #tpu.memory_space<hbm>> -> memref<128x128xf32, #tpu.memory_space<hbm>>
    tpu.enqueue_dma source(%arg10 : memref<128x128xf32, #tpu.memory_space<vmem>>) target(%dma_start3A_63 : memref<128x128xf32, #tpu.memory_space<hbm>>) target_semaphore(%arg15 : memref<!tpu.dma_semaphore, #tpu.memory_space<semaphore_mem>>)
    %dma_wait3A_64 = arith.constant 256 : i32
    %dma_wait3A_65 = tpu.memref_slice %arg7[%dma_wait3A_64] : memref<1024xi32, #tpu.memory_space<vmem>> -> memref<128xi32, #tpu.memory_space<vmem>>
    %dma_wait3A_66 = arith.constant 0 : i32
    %dma_wait3A_67 = arith.constant 0 : i32
    %dma_wait3A_68 = tpu.memref_slice %arg11[%dma_wait3A_66, %dma_wait3A_67] : memref<1024x128xf32, #tpu.memory_space<vmem_shared>> -> memref<1024x128xf32, #tpu.memory_space<vmem_shared>>
    tpu.wait_indirect_dma semaphore(%arg13 : memref<!tpu.dma_semaphore, #tpu.memory_space<semaphore_mem>>) src(%dma_wait3A_68 : memref<1024x128xf32, #tpu.memory_space<vmem_shared>>) dst(%arg9 : memref<128x128xf32, #tpu.memory_space<vmem>>)
    %dma_start3A_69 = arith.constant 256 : i32
    %dma_start3A_70 = tpu.memref_slice %arg8[%dma_start3A_69] : memref<1024xi32, #tpu.memory_space<vmem>> -> memref<128xi32, #tpu.memory_space<vmem>>
    %dma_start3A_71 = arith.constant 0 : i32
    %dma_start3A_72 = arith.constant 0 : i32
    %dma_start3A_73 = tpu.memref_slice %arg12[%dma_start3A_71, %dma_start3A_72] : memref<1024x128xf32, #tpu.memory_space<vmem_shared>> -> memref<1024x128xf32, #tpu.memory_space<vmem_shared>>
    tpu.enqueue_indirect_dma source(%dma_start3A_73 : memref<1024x128xf32, #tpu.memory_space<vmem_shared>>) target(%arg9 : memref<128x128xf32, #tpu.memory_space<vmem>>) offsets(%dma_start3A_70 : memref<128xi32, #tpu.memory_space<vmem>>) semaphore(%arg14 : memref<!tpu.dma_semaphore, #tpu.memory_space<semaphore_mem>>) {add = true}
    %dma_wait3A_74 = arith.constant 0 : i32
    %dma_wait3A_75 = tpu.memref_slice %arg6[%add3A_59, %dma_wait3A_74] : memref<32768x128xf32, #tpu.memory_space<hbm>> -> memref<128x128xf32, #tpu.memory_space<hbm>>
    %dma_wait3A_76 = arith.constant 0 : i32
    %dma_wait3A_77 = tpu.memref_slice %arg6[%add3A_59, %dma_wait3A_76] : memref<32768x128xf32, #tpu.memory_space<hbm>> -> memref<128x128xf32, #tpu.memory_space<hbm>>
    tpu.wait_dma2 semaphore(%arg15 : memref<!tpu.dma_semaphore, #tpu.memory_space<semaphore_mem>>) src(%arg10 : memref<128x128xf32, #tpu.memory_space<vmem>>) dst(%dma_wait3A_77 : memref<128x128xf32, #tpu.memory_space<hbm>>)
    %dma_start3A_78 = arith.constant 384 : i32
    %dma_start3A_79 = tpu.memref_slice %arg7[%dma_start3A_78] : memref<1024xi32, #tpu.memory_space<vmem>> -> memref<128xi32, #tpu.memory_space<vmem>>
    %dma_start3A_80 = arith.constant 0 : i32
    %dma_start3A_81 = arith.constant 0 : i32
    %dma_start3A_82 = tpu.memref_slice %arg11[%dma_start3A_80, %dma_start3A_81] : memref<1024x128xf32, #tpu.memory_space<vmem_shared>> -> memref<1024x128xf32, #tpu.memory_space<vmem_shared>>
    tpu.enqueue_indirect_dma source(%dma_start3A_82 : memref<1024x128xf32, #tpu.memory_space<vmem_shared>>) target(%arg10 : memref<128x128xf32, #tpu.memory_space<vmem>>) offsets(%dma_start3A_79 : memref<128xi32, #tpu.memory_space<vmem>>) semaphore(%arg13 : memref<!tpu.dma_semaphore, #tpu.memory_space<semaphore_mem>>)
    %dma_wait3A_83 = arith.constant 256 : i32
    %dma_wait3A_84 = tpu.memref_slice %arg8[%dma_wait3A_83] : memref<1024xi32, #tpu.memory_space<vmem>> -> memref<128xi32, #tpu.memory_space<vmem>>
    %dma_wait3A_85 = arith.constant 0 : i32
    %dma_wait3A_86 = arith.constant 0 : i32
    %dma_wait3A_87 = tpu.memref_slice %arg12[%dma_wait3A_85, %dma_wait3A_86] : memref<1024x128xf32, #tpu.memory_space<vmem_shared>> -> memref<1024x128xf32, #tpu.memory_space<vmem_shared>>
    tpu.wait_indirect_dma semaphore(%arg14 : memref<!tpu.dma_semaphore, #tpu.memory_space<semaphore_mem>>) src(%dma_wait3A_87 : memref<1024x128xf32, #tpu.memory_space<vmem_shared>>) dst(%arg9 : memref<128x128xf32, #tpu.memory_space<vmem>>)
    %add3A_88 = arith.constant 256 : i32
    %add3A_89 = arith.addi %mul3A_2, %add3A_88 : i32
    %dma_start3A_90 = arith.constant 0 : i32
    %dma_start3A_91 = tpu.memref_slice %arg6[%add3A_89, %dma_start3A_90] : memref<32768x128xf32, #tpu.memory_space<hbm>> -> memref<128x128xf32, #tpu.memory_space<hbm>>
    %dma_start3A_92 = arith.constant 0 : i32
    %dma_start3A_93 = tpu.memref_slice %arg6[%add3A_89, %dma_start3A_92] : memref<32768x128xf32, #tpu.memory_space<hbm>> -> memref<128x128xf32, #tpu.memory_space<hbm>>
    tpu.enqueue_dma source(%arg9 : memref<128x128xf32, #tpu.memory_space<vmem>>) target(%dma_start3A_93 : memref<128x128xf32, #tpu.memory_space<hbm>>) target_semaphore(%arg15 : memref<!tpu.dma_semaphore, #tpu.memory_space<semaphore_mem>>)
    %dma_wait3A_94 = arith.constant 384 : i32
    %dma_wait3A_95 = tpu.memref_slice %arg7[%dma_wait3A_94] : memref<1024xi32, #tpu.memory_space<vmem>> -> memref<128xi32, #tpu.memory_space<vmem>>
    %dma_wait3A_96 = arith.constant 0 : i32
    %dma_wait3A_97 = arith.constant 0 : i32
    %dma_wait3A_98 = tpu.memref_slice %arg11[%dma_wait3A_96, %dma_wait3A_97] : memref<1024x128xf32, #tpu.memory_space<vmem_shared>> -> memref<1024x128xf32, #tpu.memory_space<vmem_shared>>
    tpu.wait_indirect_dma semaphore(%arg13 : memref<!tpu.dma_semaphore, #tpu.memory_space<semaphore_mem>>) src(%dma_wait3A_98 : memref<1024x128xf32, #tpu.memory_space<vmem_shared>>) dst(%arg10 : memref<128x128xf32, #tpu.memory_space<vmem>>)
    %dma_start3A_99 = arith.constant 384 : i32
    %dma_start3A_100 = tpu.memref_slice %arg8[%dma_start3A_99] : memref<1024xi32, #tpu.memory_space<vmem>> -> memref<128xi32, #tpu.memory_space<vmem>>
    %dma_start3A_101 = arith.constant 0 : i32
    %dma_start3A_102 = arith.constant 0 : i32
    %dma_start3A_103 = tpu.memref_slice %arg12[%dma_start3A_101, %dma_start3A_102] : memref<1024x128xf32, #tpu.memory_space<vmem_shared>> -> memref<1024x128xf32, #tpu.memory_space<vmem_shared>>
    tpu.enqueue_indirect_dma source(%dma_start3A_103 : memref<1024x128xf32, #tpu.memory_space<vmem_shared>>) target(%arg10 : memref<128x128xf32, #tpu.memory_space<vmem>>) offsets(%dma_start3A_100 : memref<128xi32, #tpu.memory_space<vmem>>) semaphore(%arg14 : memref<!tpu.dma_semaphore, #tpu.memory_space<semaphore_mem>>) {add = true}
    %dma_wait3A_104 = arith.constant 0 : i32
    %dma_wait3A_105 = tpu.memref_slice %arg6[%add3A_89, %dma_wait3A_104] : memref<32768x128xf32, #tpu.memory_space<hbm>> -> memref<128x128xf32, #tpu.memory_space<hbm>>
    %dma_wait3A_106 = arith.constant 0 : i32
    %dma_wait3A_107 = tpu.memref_slice %arg6[%add3A_89, %dma_wait3A_106] : memref<32768x128xf32, #tpu.memory_space<hbm>> -> memref<128x128xf32, #tpu.memory_space<hbm>>
    tpu.wait_dma2 semaphore(%arg15 : memref<!tpu.dma_semaphore, #tpu.memory_space<semaphore_mem>>) src(%arg9 : memref<128x128xf32, #tpu.memory_space<vmem>>) dst(%dma_wait3A_107 : memref<128x128xf32, #tpu.memory_space<hbm>>)
    %dma_start3A_108 = arith.constant 512 : i32
    %dma_start3A_109 = tpu.memref_slice %arg7[%dma_start3A_108] : memref<1024xi32, #tpu.memory_space<vmem>> -> memref<128xi32, #tpu.memory_space<vmem>>
    %dma_start3A_110 = arith.constant 0 : i32
    %dma_start3A_111 = arith.constant 0 : i32
    %dma_start3A_112 = tpu.memref_slice %arg11[%dma_start3A_110, %dma_start3A_111] : memref<1024x128xf32, #tpu.memory_space<vmem_shared>> -> memref<1024x128xf32, #tpu.memory_space<vmem_shared>>
    tpu.enqueue_indirect_dma source(%dma_start3A_112 : memref<1024x128xf32, #tpu.memory_space<vmem_shared>>) target(%arg9 : memref<128x128xf32, #tpu.memory_space<vmem>>) offsets(%dma_start3A_109 : memref<128xi32, #tpu.memory_space<vmem>>) semaphore(%arg13 : memref<!tpu.dma_semaphore, #tpu.memory_space<semaphore_mem>>)
    %dma_wait3A_113 = arith.constant 384 : i32
    %dma_wait3A_114 = tpu.memref_slice %arg8[%dma_wait3A_113] : memref<1024xi32, #tpu.memory_space<vmem>> -> memref<128xi32, #tpu.memory_space<vmem>>
    %dma_wait3A_115 = arith.constant 0 : i32
    %dma_wait3A_116 = arith.constant 0 : i32
    %dma_wait3A_117 = tpu.memref_slice %arg12[%dma_wait3A_115, %dma_wait3A_116] : memref<1024x128xf32, #tpu.memory_space<vmem_shared>> -> memref<1024x128xf32, #tpu.memory_space<vmem_shared>>
    tpu.wait_indirect_dma semaphore(%arg14 : memref<!tpu.dma_semaphore, #tpu.memory_space<semaphore_mem>>) src(%dma_wait3A_117 : memref<1024x128xf32, #tpu.memory_space<vmem_shared>>) dst(%arg10 : memref<128x128xf32, #tpu.memory_space<vmem>>)
    %add3A_118 = arith.constant 384 : i32
    %add3A_119 = arith.addi %mul3A_2, %add3A_118 : i32
    %dma_start3A_120 = arith.constant 0 : i32
    %dma_start3A_121 = tpu.memref_slice %arg6[%add3A_119, %dma_start3A_120] : memref<32768x128xf32, #tpu.memory_space<hbm>> -> memref<128x128xf32, #tpu.memory_space<hbm>>
    %dma_start3A_122 = arith.constant 0 : i32
    %dma_start3A_123 = tpu.memref_slice %arg6[%add3A_119, %dma_start3A_122] : memref<32768x128xf32, #tpu.memory_space<hbm>> -> memref<128x128xf32, #tpu.memory_space<hbm>>
    tpu.enqueue_dma source(%arg10 : memref<128x128xf32, #tpu.memory_space<vmem>>) target(%dma_start3A_123 : memref<128x128xf32, #tpu.memory_space<hbm>>) target_semaphore(%arg15 : memref<!tpu.dma_semaphore, #tpu.memory_space<semaphore_mem>>)
    %dma_wait3A_124 = arith.constant 512 : i32
    %dma_wait3A_125 = tpu.memref_slice %arg7[%dma_wait3A_124] : memref<1024xi32, #tpu.memory_space<vmem>> -> memref<128xi32, #tpu.memory_space<vmem>>
    %dma_wait3A_126 = arith.constant 0 : i32
    %dma_wait3A_127 = arith.constant 0 : i32
    %dma_wait3A_128 = tpu.memref_slice %arg11[%dma_wait3A_126, %dma_wait3A_127] : memref<1024x128xf32, #tpu.memory_space<vmem_shared>> -> memref<1024x128xf32, #tpu.memory_space<vmem_shared>>
    tpu.wait_indirect_dma semaphore(%arg13 : memref<!tpu.dma_semaphore, #tpu.memory_space<semaphore_mem>>) src(%dma_wait3A_128 : memref<1024x128xf32, #tpu.memory_space<vmem_shared>>) dst(%arg9 : memref<128x128xf32, #tpu.memory_space<vmem>>)
    %dma_start3A_129 = arith.constant 512 : i32
    %dma_start3A_130 = tpu.memref_slice %arg8[%dma_start3A_129] : memref<1024xi32, #tpu.memory_space<vmem>> -> memref<128xi32, #tpu.memory_space<vmem>>
    %dma_start3A_131 = arith.constant 0 : i32
    %dma_start3A_132 = arith.constant 0 : i32
    %dma_start3A_133 = tpu.memref_slice %arg12[%dma_start3A_131, %dma_start3A_132] : memref<1024x128xf32, #tpu.memory_space<vmem_shared>> -> memref<1024x128xf32, #tpu.memory_space<vmem_shared>>
    tpu.enqueue_indirect_dma source(%dma_start3A_133 : memref<1024x128xf32, #tpu.memory_space<vmem_shared>>) target(%arg9 : memref<128x128xf32, #tpu.memory_space<vmem>>) offsets(%dma_start3A_130 : memref<128xi32, #tpu.memory_space<vmem>>) semaphore(%arg14 : memref<!tpu.dma_semaphore, #tpu.memory_space<semaphore_mem>>) {add = true}
    %dma_wait3A_134 = arith.constant 0 : i32
    %dma_wait3A_135 = tpu.memref_slice %arg6[%add3A_119, %dma_wait3A_134] : memref<32768x128xf32, #tpu.memory_space<hbm>> -> memref<128x128xf32, #tpu.memory_space<hbm>>
    %dma_wait3A_136 = arith.constant 0 : i32
    %dma_wait3A_137 = tpu.memref_slice %arg6[%add3A_119, %dma_wait3A_136] : memref<32768x128xf32, #tpu.memory_space<hbm>> -> memref<128x128xf32, #tpu.memory_space<hbm>>
    tpu.wait_dma2 semaphore(%arg15 : memref<!tpu.dma_semaphore, #tpu.memory_space<semaphore_mem>>) src(%arg10 : memref<128x128xf32, #tpu.memory_space<vmem>>) dst(%dma_wait3A_137 : memref<128x128xf32, #tpu.memory_space<hbm>>)
    %dma_start3A_138 = arith.constant 640 : i32
    %dma_start3A_139 = tpu.memref_slice %arg7[%dma_start3A_138] : memref<1024xi32, #tpu.memory_space<vmem>> -> memref<128xi32, #tpu.memory_space<vmem>>
    %dma_start3A_140 = arith.constant 0 : i32
    %dma_start3A_141 = arith.constant 0 : i32
    %dma_start3A_142 = tpu.memref_slice %arg11[%dma_start3A_140, %dma_start3A_141] : memref<1024x128xf32, #tpu.memory_space<vmem_shared>> -> memref<1024x128xf32, #tpu.memory_space<vmem_shared>>
    tpu.enqueue_indirect_dma source(%dma_start3A_142 : memref<1024x128xf32, #tpu.memory_space<vmem_shared>>) target(%arg10 : memref<128x128xf32, #tpu.memory_space<vmem>>) offsets(%dma_start3A_139 : memref<128xi32, #tpu.memory_space<vmem>>) semaphore(%arg13 : memref<!tpu.dma_semaphore, #tpu.memory_space<semaphore_mem>>)
    %dma_wait3A_143 = arith.constant 512 : i32
    %dma_wait3A_144 = tpu.memref_slice %arg8[%dma_wait3A_143] : memref<1024xi32, #tpu.memory_space<vmem>> -> memref<128xi32, #tpu.memory_space<vmem>>
    %dma_wait3A_145 = arith.constant 0 : i32
    %dma_wait3A_146 = arith.constant 0 : i32
    %dma_wait3A_147 = tpu.memref_slice %arg12[%dma_wait3A_145, %dma_wait3A_146] : memref<1024x128xf32, #tpu.memory_space<vmem_shared>> -> memref<1024x128xf32, #tpu.memory_space<vmem_shared>>
    tpu.wait_indirect_dma semaphore(%arg14 : memref<!tpu.dma_semaphore, #tpu.memory_space<semaphore_mem>>) src(%dma_wait3A_147 : memref<1024x128xf32, #tpu.memory_space<vmem_shared>>) dst(%arg9 : memref<128x128xf32, #tpu.memory_space<vmem>>)
    %add3A_148 = arith.constant 512 : i32
    %add3A_149 = arith.addi %mul3A_2, %add3A_148 : i32
    %dma_start3A_150 = arith.constant 0 : i32
    %dma_start3A_151 = tpu.memref_slice %arg6[%add3A_149, %dma_start3A_150] : memref<32768x128xf32, #tpu.memory_space<hbm>> -> memref<128x128xf32, #tpu.memory_space<hbm>>
    %dma_start3A_152 = arith.constant 0 : i32
    %dma_start3A_153 = tpu.memref_slice %arg6[%add3A_149, %dma_start3A_152] : memref<32768x128xf32, #tpu.memory_space<hbm>> -> memref<128x128xf32, #tpu.memory_space<hbm>>
    tpu.enqueue_dma source(%arg9 : memref<128x128xf32, #tpu.memory_space<vmem>>) target(%dma_start3A_153 : memref<128x128xf32, #tpu.memory_space<hbm>>) target_semaphore(%arg15 : memref<!tpu.dma_semaphore, #tpu.memory_space<semaphore_mem>>)
    %dma_wait3A_154 = arith.constant 640 : i32
    %dma_wait3A_155 = tpu.memref_slice %arg7[%dma_wait3A_154] : memref<1024xi32, #tpu.memory_space<vmem>> -> memref<128xi32, #tpu.memory_space<vmem>>
    %dma_wait3A_156 = arith.constant 0 : i32
    %dma_wait3A_157 = arith.constant 0 : i32
    %dma_wait3A_158 = tpu.memref_slice %arg11[%dma_wait3A_156, %dma_wait3A_157] : memref<1024x128xf32, #tpu.memory_space<vmem_shared>> -> memref<1024x128xf32, #tpu.memory_space<vmem_shared>>
    tpu.wait_indirect_dma semaphore(%arg13 : memref<!tpu.dma_semaphore, #tpu.memory_space<semaphore_mem>>) src(%dma_wait3A_158 : memref<1024x128xf32, #tpu.memory_space<vmem_shared>>) dst(%arg10 : memref<128x128xf32, #tpu.memory_space<vmem>>)
    %dma_start3A_159 = arith.constant 640 : i32
    %dma_start3A_160 = tpu.memref_slice %arg8[%dma_start3A_159] : memref<1024xi32, #tpu.memory_space<vmem>> -> memref<128xi32, #tpu.memory_space<vmem>>
    %dma_start3A_161 = arith.constant 0 : i32
    %dma_start3A_162 = arith.constant 0 : i32
    %dma_start3A_163 = tpu.memref_slice %arg12[%dma_start3A_161, %dma_start3A_162] : memref<1024x128xf32, #tpu.memory_space<vmem_shared>> -> memref<1024x128xf32, #tpu.memory_space<vmem_shared>>
    tpu.enqueue_indirect_dma source(%dma_start3A_163 : memref<1024x128xf32, #tpu.memory_space<vmem_shared>>) target(%arg10 : memref<128x128xf32, #tpu.memory_space<vmem>>) offsets(%dma_start3A_160 : memref<128xi32, #tpu.memory_space<vmem>>) semaphore(%arg14 : memref<!tpu.dma_semaphore, #tpu.memory_space<semaphore_mem>>) {add = true}
    %dma_wait3A_164 = arith.constant 0 : i32
    %dma_wait3A_165 = tpu.memref_slice %arg6[%add3A_149, %dma_wait3A_164] : memref<32768x128xf32, #tpu.memory_space<hbm>> -> memref<128x128xf32, #tpu.memory_space<hbm>>
    %dma_wait3A_166 = arith.constant 0 : i32
    %dma_wait3A_167 = tpu.memref_slice %arg6[%add3A_149, %dma_wait3A_166] : memref<32768x128xf32, #tpu.memory_space<hbm>> -> memref<128x128xf32, #tpu.memory_space<hbm>>
    tpu.wait_dma2 semaphore(%arg15 : memref<!tpu.dma_semaphore, #tpu.memory_space<semaphore_mem>>) src(%arg9 : memref<128x128xf32, #tpu.memory_space<vmem>>) dst(%dma_wait3A_167 : memref<128x128xf32, #tpu.memory_space<hbm>>)
    %dma_start3A_168 = arith.constant 768 : i32
    %dma_start3A_169 = tpu.memref_slice %arg7[%dma_start3A_168] : memref<1024xi32, #tpu.memory_space<vmem>> -> memref<128xi32, #tpu.memory_space<vmem>>
    %dma_start3A_170 = arith.constant 0 : i32
    %dma_start3A_171 = arith.constant 0 : i32
    %dma_start3A_172 = tpu.memref_slice %arg11[%dma_start3A_170, %dma_start3A_171] : memref<1024x128xf32, #tpu.memory_space<vmem_shared>> -> memref<1024x128xf32, #tpu.memory_space<vmem_shared>>
    tpu.enqueue_indirect_dma source(%dma_start3A_172 : memref<1024x128xf32, #tpu.memory_space<vmem_shared>>) target(%arg9 : memref<128x128xf32, #tpu.memory_space<vmem>>) offsets(%dma_start3A_169 : memref<128xi32, #tpu.memory_space<vmem>>) semaphore(%arg13 : memref<!tpu.dma_semaphore, #tpu.memory_space<semaphore_mem>>)
    %dma_wait3A_173 = arith.constant 640 : i32
    %dma_wait3A_174 = tpu.memref_slice %arg8[%dma_wait3A_173] : memref<1024xi32, #tpu.memory_space<vmem>> -> memref<128xi32, #tpu.memory_space<vmem>>
    %dma_wait3A_175 = arith.constant 0 : i32
    %dma_wait3A_176 = arith.constant 0 : i32
    %dma_wait3A_177 = tpu.memref_slice %arg12[%dma_wait3A_175, %dma_wait3A_176] : memref<1024x128xf32, #tpu.memory_space<vmem_shared>> -> memref<1024x128xf32, #tpu.memory_space<vmem_shared>>
    tpu.wait_indirect_dma semaphore(%arg14 : memref<!tpu.dma_semaphore, #tpu.memory_space<semaphore_mem>>) src(%dma_wait3A_177 : memref<1024x128xf32, #tpu.memory_space<vmem_shared>>) dst(%arg10 : memref<128x128xf32, #tpu.memory_space<vmem>>)
    %add3A_178 = arith.constant 640 : i32
    %add3A_179 = arith.addi %mul3A_2, %add3A_178 : i32
    %dma_start3A_180 = arith.constant 0 : i32
    %dma_start3A_181 = tpu.memref_slice %arg6[%add3A_179, %dma_start3A_180] : memref<32768x128xf32, #tpu.memory_space<hbm>> -> memref<128x128xf32, #tpu.memory_space<hbm>>
    %dma_start3A_182 = arith.constant 0 : i32
    %dma_start3A_183 = tpu.memref_slice %arg6[%add3A_179, %dma_start3A_182] : memref<32768x128xf32, #tpu.memory_space<hbm>> -> memref<128x128xf32, #tpu.memory_space<hbm>>
    tpu.enqueue_dma source(%arg10 : memref<128x128xf32, #tpu.memory_space<vmem>>) target(%dma_start3A_183 : memref<128x128xf32, #tpu.memory_space<hbm>>) target_semaphore(%arg15 : memref<!tpu.dma_semaphore, #tpu.memory_space<semaphore_mem>>)
    %dma_wait3A_184 = arith.constant 768 : i32
    %dma_wait3A_185 = tpu.memref_slice %arg7[%dma_wait3A_184] : memref<1024xi32, #tpu.memory_space<vmem>> -> memref<128xi32, #tpu.memory_space<vmem>>
    %dma_wait3A_186 = arith.constant 0 : i32
    %dma_wait3A_187 = arith.constant 0 : i32
    %dma_wait3A_188 = tpu.memref_slice %arg11[%dma_wait3A_186, %dma_wait3A_187] : memref<1024x128xf32, #tpu.memory_space<vmem_shared>> -> memref<1024x128xf32, #tpu.memory_space<vmem_shared>>
    tpu.wait_indirect_dma semaphore(%arg13 : memref<!tpu.dma_semaphore, #tpu.memory_space<semaphore_mem>>) src(%dma_wait3A_188 : memref<1024x128xf32, #tpu.memory_space<vmem_shared>>) dst(%arg9 : memref<128x128xf32, #tpu.memory_space<vmem>>)
    %dma_start3A_189 = arith.constant 768 : i32
    %dma_start3A_190 = tpu.memref_slice %arg8[%dma_start3A_189] : memref<1024xi32, #tpu.memory_space<vmem>> -> memref<128xi32, #tpu.memory_space<vmem>>
    %dma_start3A_191 = arith.constant 0 : i32
    %dma_start3A_192 = arith.constant 0 : i32
    %dma_start3A_193 = tpu.memref_slice %arg12[%dma_start3A_191, %dma_start3A_192] : memref<1024x128xf32, #tpu.memory_space<vmem_shared>> -> memref<1024x128xf32, #tpu.memory_space<vmem_shared>>
    tpu.enqueue_indirect_dma source(%dma_start3A_193 : memref<1024x128xf32, #tpu.memory_space<vmem_shared>>) target(%arg9 : memref<128x128xf32, #tpu.memory_space<vmem>>) offsets(%dma_start3A_190 : memref<128xi32, #tpu.memory_space<vmem>>) semaphore(%arg14 : memref<!tpu.dma_semaphore, #tpu.memory_space<semaphore_mem>>) {add = true}
    %dma_wait3A_194 = arith.constant 0 : i32
    %dma_wait3A_195 = tpu.memref_slice %arg6[%add3A_179, %dma_wait3A_194] : memref<32768x128xf32, #tpu.memory_space<hbm>> -> memref<128x128xf32, #tpu.memory_space<hbm>>
    %dma_wait3A_196 = arith.constant 0 : i32
    %dma_wait3A_197 = tpu.memref_slice %arg6[%add3A_179, %dma_wait3A_196] : memref<32768x128xf32, #tpu.memory_space<hbm>> -> memref<128x128xf32, #tpu.memory_space<hbm>>
    tpu.wait_dma2 semaphore(%arg15 : memref<!tpu.dma_semaphore, #tpu.memory_space<semaphore_mem>>) src(%arg10 : memref<128x128xf32, #tpu.memory_space<vmem>>) dst(%dma_wait3A_197 : memref<128x128xf32, #tpu.memory_space<hbm>>)
    %dma_start3A_198 = arith.constant 896 : i32
    %dma_start3A_199 = tpu.memref_slice %arg7[%dma_start3A_198] : memref<1024xi32, #tpu.memory_space<vmem>> -> memref<128xi32, #tpu.memory_space<vmem>>
    %dma_start3A_200 = arith.constant 0 : i32
    %dma_start3A_201 = arith.constant 0 : i32
    %dma_start3A_202 = tpu.memref_slice %arg11[%dma_start3A_200, %dma_start3A_201] : memref<1024x128xf32, #tpu.memory_space<vmem_shared>> -> memref<1024x128xf32, #tpu.memory_space<vmem_shared>>
    tpu.enqueue_indirect_dma source(%dma_start3A_202 : memref<1024x128xf32, #tpu.memory_space<vmem_shared>>) target(%arg10 : memref<128x128xf32, #tpu.memory_space<vmem>>) offsets(%dma_start3A_199 : memref<128xi32, #tpu.memory_space<vmem>>) semaphore(%arg13 : memref<!tpu.dma_semaphore, #tpu.memory_space<semaphore_mem>>)
    %dma_wait3A_203 = arith.constant 768 : i32
    %dma_wait3A_204 = tpu.memref_slice %arg8[%dma_wait3A_203] : memref<1024xi32, #tpu.memory_space<vmem>> -> memref<128xi32, #tpu.memory_space<vmem>>
    %dma_wait3A_205 = arith.constant 0 : i32
    %dma_wait3A_206 = arith.constant 0 : i32
    %dma_wait3A_207 = tpu.memref_slice %arg12[%dma_wait3A_205, %dma_wait3A_206] : memref<1024x128xf32, #tpu.memory_space<vmem_shared>> -> memref<1024x128xf32, #tpu.memory_space<vmem_shared>>
    tpu.wait_indirect_dma semaphore(%arg14 : memref<!tpu.dma_semaphore, #tpu.memory_space<semaphore_mem>>) src(%dma_wait3A_207 : memref<1024x128xf32, #tpu.memory_space<vmem_shared>>) dst(%arg9 : memref<128x128xf32, #tpu.memory_space<vmem>>)
    %add3A_208 = arith.constant 768 : i32
    %add3A_209 = arith.addi %mul3A_2, %add3A_208 : i32
    %dma_start3A_210 = arith.constant 0 : i32
    %dma_start3A_211 = tpu.memref_slice %arg6[%add3A_209, %dma_start3A_210] : memref<32768x128xf32, #tpu.memory_space<hbm>> -> memref<128x128xf32, #tpu.memory_space<hbm>>
    %dma_start3A_212 = arith.constant 0 : i32
    %dma_start3A_213 = tpu.memref_slice %arg6[%add3A_209, %dma_start3A_212] : memref<32768x128xf32, #tpu.memory_space<hbm>> -> memref<128x128xf32, #tpu.memory_space<hbm>>
    tpu.enqueue_dma source(%arg9 : memref<128x128xf32, #tpu.memory_space<vmem>>) target(%dma_start3A_213 : memref<128x128xf32, #tpu.memory_space<hbm>>) target_semaphore(%arg15 : memref<!tpu.dma_semaphore, #tpu.memory_space<semaphore_mem>>)
    %dma_wait3A_214 = arith.constant 896 : i32
    %dma_wait3A_215 = tpu.memref_slice %arg7[%dma_wait3A_214] : memref<1024xi32, #tpu.memory_space<vmem>> -> memref<128xi32, #tpu.memory_space<vmem>>
    %dma_wait3A_216 = arith.constant 0 : i32
    %dma_wait3A_217 = arith.constant 0 : i32
    %dma_wait3A_218 = tpu.memref_slice %arg11[%dma_wait3A_216, %dma_wait3A_217] : memref<1024x128xf32, #tpu.memory_space<vmem_shared>> -> memref<1024x128xf32, #tpu.memory_space<vmem_shared>>
    tpu.wait_indirect_dma semaphore(%arg13 : memref<!tpu.dma_semaphore, #tpu.memory_space<semaphore_mem>>) src(%dma_wait3A_218 : memref<1024x128xf32, #tpu.memory_space<vmem_shared>>) dst(%arg10 : memref<128x128xf32, #tpu.memory_space<vmem>>)
    %dma_start3A_219 = arith.constant 896 : i32
    %dma_start3A_220 = tpu.memref_slice %arg8[%dma_start3A_219] : memref<1024xi32, #tpu.memory_space<vmem>> -> memref<128xi32, #tpu.memory_space<vmem>>
    %dma_start3A_221 = arith.constant 0 : i32
    %dma_start3A_222 = arith.constant 0 : i32
    %dma_start3A_223 = tpu.memref_slice %arg12[%dma_start3A_221, %dma_start3A_222] : memref<1024x128xf32, #tpu.memory_space<vmem_shared>> -> memref<1024x128xf32, #tpu.memory_space<vmem_shared>>
    tpu.enqueue_indirect_dma source(%dma_start3A_223 : memref<1024x128xf32, #tpu.memory_space<vmem_shared>>) target(%arg10 : memref<128x128xf32, #tpu.memory_space<vmem>>) offsets(%dma_start3A_220 : memref<128xi32, #tpu.memory_space<vmem>>) semaphore(%arg14 : memref<!tpu.dma_semaphore, #tpu.memory_space<semaphore_mem>>) {add = true}
    %dma_wait3A_224 = arith.constant 896 : i32
    %dma_wait3A_225 = tpu.memref_slice %arg8[%dma_wait3A_224] : memref<1024xi32, #tpu.memory_space<vmem>> -> memref<128xi32, #tpu.memory_space<vmem>>
    %dma_wait3A_226 = arith.constant 0 : i32
    %dma_wait3A_227 = arith.constant 0 : i32
    %dma_wait3A_228 = tpu.memref_slice %arg12[%dma_wait3A_226, %dma_wait3A_227] : memref<1024x128xf32, #tpu.memory_space<vmem_shared>> -> memref<1024x128xf32, #tpu.memory_space<vmem_shared>>
    tpu.wait_indirect_dma semaphore(%arg14 : memref<!tpu.dma_semaphore, #tpu.memory_space<semaphore_mem>>) src(%dma_wait3A_228 : memref<1024x128xf32, #tpu.memory_space<vmem_shared>>) dst(%arg10 : memref<128x128xf32, #tpu.memory_space<vmem>>)
    %add3A_229 = arith.constant 896 : i32
    %add3A_230 = arith.addi %mul3A_2, %add3A_229 : i32
    %dma_start3A_231 = arith.constant 0 : i32
    %dma_start3A_232 = tpu.memref_slice %arg6[%add3A_230, %dma_start3A_231] : memref<32768x128xf32, #tpu.memory_space<hbm>> -> memref<128x128xf32, #tpu.memory_space<hbm>>
    %dma_start3A_233 = arith.constant 0 : i32
    %dma_start3A_234 = tpu.memref_slice %arg6[%add3A_230, %dma_start3A_233] : memref<32768x128xf32, #tpu.memory_space<hbm>> -> memref<128x128xf32, #tpu.memory_space<hbm>>
    tpu.enqueue_dma source(%arg10 : memref<128x128xf32, #tpu.memory_space<vmem>>) target(%dma_start3A_234 : memref<128x128xf32, #tpu.memory_space<hbm>>) target_semaphore(%arg15 : memref<!tpu.dma_semaphore, #tpu.memory_space<semaphore_mem>>)
    %dma_wait3A_235 = arith.constant 0 : i32
    %dma_wait3A_236 = tpu.memref_slice %arg6[%add3A_209, %dma_wait3A_235] : memref<32768x128xf32, #tpu.memory_space<hbm>> -> memref<128x128xf32, #tpu.memory_space<hbm>>
    %dma_wait3A_237 = arith.constant 0 : i32
    %dma_wait3A_238 = tpu.memref_slice %arg6[%add3A_209, %dma_wait3A_237] : memref<32768x128xf32, #tpu.memory_space<hbm>> -> memref<128x128xf32, #tpu.memory_space<hbm>>
    tpu.wait_dma2 semaphore(%arg15 : memref<!tpu.dma_semaphore, #tpu.memory_space<semaphore_mem>>) src(%arg9 : memref<128x128xf32, #tpu.memory_space<vmem>>) dst(%dma_wait3A_238 : memref<128x128xf32, #tpu.memory_space<hbm>>)
    %dma_wait3A_239 = arith.constant 0 : i32
    %dma_wait3A_240 = tpu.memref_slice %arg6[%add3A_230, %dma_wait3A_239] : memref<32768x128xf32, #tpu.memory_space<hbm>> -> memref<128x128xf32, #tpu.memory_space<hbm>>
    %dma_wait3A_241 = arith.constant 0 : i32
    %dma_wait3A_242 = tpu.memref_slice %arg6[%add3A_230, %dma_wait3A_241] : memref<32768x128xf32, #tpu.memory_space<hbm>> -> memref<128x128xf32, #tpu.memory_space<hbm>>
    tpu.wait_dma2 semaphore(%arg15 : memref<!tpu.dma_semaphore, #tpu.memory_space<semaphore_mem>>) src(%arg10 : memref<128x128xf32, #tpu.memory_space<vmem>>) dst(%dma_wait3A_242 : memref<128x128xf32, #tpu.memory_space<hbm>>)
    return
  }
}

module attributes {stable_mosaic.version = 14 : i64} {
  func.func @_argmin_body(%arg0: i32, %arg1: i32, %arg2: memref<1x64x2048xf32, #tpu.memory_space<vmem>>, %arg3: memref<1x64x2048xf32, #tpu.memory_space<vmem>>, %arg4: memref<1024x64xf32, #tpu.memory_space<vmem>>, %arg5: memref<1024x64xf32, #tpu.memory_space<vmem>>, %arg6: memref<1024x1xf32, #tpu.memory_space<vmem>>, %arg7: memref<1024x1xf32, #tpu.memory_space<vmem>>, %arg8: memref<1024x1xf32, #tpu.memory_space<vmem>>, %arg9: memref<1x1x2048xi32, #tpu.memory_space<vmem>>, %arg10: memref<1x1x2048xi32, #tpu.memory_space<vmem>>) attributes {dimension_semantics = [#tpu.dimension_semantics<arbitrary>, #tpu.dimension_semantics<arbitrary>], iteration_bounds = array<i64: 16, 1>, scalar_prefetch = 0 : i64, scratch_operands = 0 : i64, tpu.core_type = #tpu.core_type<tc>, window_params = [{transform_indices = @transform_0, window_bounds = array<i64: 1, 64, 2048>}, {transform_indices = @transform_1, window_bounds = array<i64: 1, 64, 2048>}, {pipeline_mode = #tpu.pipeline_mode<synchronous>, transform_indices = @transform_2, window_bounds = array<i64: 1024, 64>}, {pipeline_mode = #tpu.pipeline_mode<synchronous>, transform_indices = @transform_3, window_bounds = array<i64: 1024, 64>}, {pipeline_mode = #tpu.pipeline_mode<synchronous>, transform_indices = @transform_4, window_bounds = array<i64: 1024, 1>}, {pipeline_mode = #tpu.pipeline_mode<synchronous>, transform_indices = @transform_5, window_bounds = array<i64: 1024, 1>}, {pipeline_mode = #tpu.pipeline_mode<synchronous>, transform_indices = @transform_6, window_bounds = array<i64: 1024, 1>}, {transform_indices = @transform_7, window_bounds = array<i64: 1, 1, 2048>}, {transform_indices = @transform_8, window_bounds = array<i64: 1, 1, 2048>}]} {
    %get3A = arith.constant 0 : index
    %get3A_0 = arith.constant 0 : index
    %get3A_1 = vector.load %arg8[%get3A, %get3A_0] : memref<1024x1xf32, #tpu.memory_space<vmem>>, vector<1024x1xf32>
    %get3A_2 = arith.constant 0 : index
    %get3A_3 = arith.constant 0 : index
    %get3A_4 = arith.constant 0 : index
    %get3A_5 = vector.load %arg2[%get3A_2, %get3A_3, %get3A_4] : memref<1x64x2048xf32, #tpu.memory_space<vmem>>, vector<1x64x2048xf32>
    %get3A_6 = vector.shape_cast %get3A_5 : vector<1x64x2048xf32> to vector<64x2048xf32>
    %get3A_7 = arith.constant 0 : index
    %get3A_8 = arith.constant 0 : index
    %get3A_9 = vector.load %arg4[%get3A_7, %get3A_8] : memref<1024x64xf32, #tpu.memory_space<vmem>>, vector<1024x64xf32>
    %get3A_10 = arith.constant 0 : index
    %get3A_11 = arith.constant 0 : index
    %get3A_12 = vector.load %arg6[%get3A_10, %get3A_11] : memref<1024x1xf32, #tpu.memory_space<vmem>>, vector<1024x1xf32>
    %dot_general3A = arith.constant dense<0.000000e+00> : vector<1024x2048xf32>
    %dot_general3A_13 = tpu.matmul %get3A_9, %get3A_6, %dot_general3A {dimension_numbers = #tpu.dot_dimension_numbers<[1], [0], [0], [1], [0, 0, 1, 1], [], []>, transpose_lhs_hint = false} : vector<1024x64xf32>, vector<64x2048xf32>, vector<1024x2048xf32> -> vector<1024x2048xf32>
    %mul3A = arith.mulf %get3A_6, %get3A_6 : vector<64x2048xf32>
    %reduce_sum3A = arith.constant dense<0.000000e+00> : vector<2048xf32>
    %reduce_sum3A_14 = vector.multi_reduction <add>, %mul3A, %reduce_sum3A [0] : vector<64x2048xf32> to vector<2048xf32>
    %broadcast_in_dim3A = vector.shape_cast %reduce_sum3A_14 : vector<2048xf32> to vector<1x2048xf32>
    %sub3A = vector.broadcast %get3A_12 : vector<1024x1xf32> to vector<1024x2048xf32>
    %sub3A_15 = arith.subf %sub3A, %dot_general3A_13 : vector<1024x2048xf32>
    %add3A = vector.broadcast %broadcast_in_dim3A : vector<1x2048xf32> to vector<1024x2048xf32>
    %add3A_16 = arith.addf %sub3A_15, %add3A : vector<1024x2048xf32>
    %reduce_min3A = arith.constant dense<0x7F800000> : vector<2048xf32>
    %reduce_min3A_17 = vector.multi_reduction <minimumf>, %add3A_16, %reduce_min3A [0] : vector<1024x2048xf32> to vector<2048xf32>
    %broadcast_in_dim3A_18 = vector.shape_cast %reduce_min3A_17 : vector<2048xf32> to vector<1x2048xf32>
    %eq3A = vector.broadcast %broadcast_in_dim3A_18 : vector<1x2048xf32> to vector<1024x2048xf32>
    %eq3A_19 = arith.cmpf oeq, %add3A_16, %eq3A : vector<1024x2048xf32>
    %jit3A = arith.constant 2.048000e+03 : f32
    %broadcast_in_dim3A_20 = vector.shape_cast %get3A_1 : vector<1024x1xf32> to vector<1024x1xf32>
    %broadcast_in_dim3A_21 = vector.broadcast %broadcast_in_dim3A_20 : vector<1024x1xf32> to vector<1024x2048xf32>
    %broadcast_in_dim3A_22 = vector.broadcast %jit3A : f32 to vector<1024x2048xf32>
    %select_n3A = arith.select %eq3A_19, %broadcast_in_dim3A_21, %broadcast_in_dim3A_22 : vector<1024x2048xi1>, vector<1024x2048xf32>
    %reduce_min3A_23 = arith.constant dense<0x7F800000> : vector<2048xf32>
    %reduce_min3A_24 = vector.multi_reduction <minimumf>, %select_n3A, %reduce_min3A_23 [0] : vector<1024x2048xf32> to vector<2048xf32>
    %convert_element_type3A = arith.fptosi %reduce_min3A_24 : vector<2048xf32> to vector<2048xi32>
    %swap3A = arith.constant 0 : index
    %swap3A_25 = arith.constant 0 : index
    %swap3A_26 = arith.constant 0 : index
    %swap3A_27 = vector.load %arg9[%swap3A, %swap3A_25, %swap3A_26] : memref<1x1x2048xi32, #tpu.memory_space<vmem>>, vector<1x1x2048xi32>
    %swap3A_28 = vector.shape_cast %swap3A_27 : vector<1x1x2048xi32> to vector<2048xi32>
    %swap3A_29 = vector.shape_cast %convert_element_type3A : vector<2048xi32> to vector<1x1x2048xi32>
    tpu.vector_store %arg9[%swap3A, %swap3A_25, %swap3A_26], %swap3A_29 {strides = array<i32>} : memref<1x1x2048xi32, #tpu.memory_space<vmem>>, vector<1x1x2048xi32>,
    %get3A_30 = arith.constant 0 : index
    %get3A_31 = arith.constant 0 : index
    %get3A_32 = arith.constant 0 : index
    %get3A_33 = vector.load %arg3[%get3A_30, %get3A_31, %get3A_32] : memref<1x64x2048xf32, #tpu.memory_space<vmem>>, vector<1x64x2048xf32>
    %get3A_34 = vector.shape_cast %get3A_33 : vector<1x64x2048xf32> to vector<64x2048xf32>
    %get3A_35 = arith.constant 0 : index
    %get3A_36 = arith.constant 0 : index
    %get3A_37 = vector.load %arg5[%get3A_35, %get3A_36] : memref<1024x64xf32, #tpu.memory_space<vmem>>, vector<1024x64xf32>
    %get3A_38 = arith.constant 0 : index
    %get3A_39 = arith.constant 0 : index
    %get3A_40 = vector.load %arg7[%get3A_38, %get3A_39] : memref<1024x1xf32, #tpu.memory_space<vmem>>, vector<1024x1xf32>
    %dot_general3A_41 = arith.constant dense<0.000000e+00> : vector<1024x2048xf32>
    %dot_general3A_42 = tpu.matmul %get3A_37, %get3A_34, %dot_general3A_41 {dimension_numbers = #tpu.dot_dimension_numbers<[1], [0], [0], [1], [0, 0, 1, 1], [], []>, transpose_lhs_hint = false} : vector<1024x64xf32>, vector<64x2048xf32>, vector<1024x2048xf32> -> vector<1024x2048xf32>
    %mul3A_43 = arith.mulf %get3A_34, %get3A_34 : vector<64x2048xf32>
    %reduce_sum3A_44 = arith.constant dense<0.000000e+00> : vector<2048xf32>
    %reduce_sum3A_45 = vector.multi_reduction <add>, %mul3A_43, %reduce_sum3A_44 [0] : vector<64x2048xf32> to vector<2048xf32>
    %broadcast_in_dim3A_46 = vector.shape_cast %reduce_sum3A_45 : vector<2048xf32> to vector<1x2048xf32>
    %sub3A_47 = vector.broadcast %get3A_40 : vector<1024x1xf32> to vector<1024x2048xf32>
    %sub3A_48 = arith.subf %sub3A_47, %dot_general3A_42 : vector<1024x2048xf32>
    %add3A_49 = vector.broadcast %broadcast_in_dim3A_46 : vector<1x2048xf32> to vector<1024x2048xf32>
    %add3A_50 = arith.addf %sub3A_48, %add3A_49 : vector<1024x2048xf32>
    %reduce_min3A_51 = arith.constant dense<0x7F800000> : vector<2048xf32>
    %reduce_min3A_52 = vector.multi_reduction <minimumf>, %add3A_50, %reduce_min3A_51 [0] : vector<1024x2048xf32> to vector<2048xf32>
    %broadcast_in_dim3A_53 = vector.shape_cast %reduce_min3A_52 : vector<2048xf32> to vector<1x2048xf32>
    %eq3A_54 = vector.broadcast %broadcast_in_dim3A_53 : vector<1x2048xf32> to vector<1024x2048xf32>
    %eq3A_55 = arith.cmpf oeq, %add3A_50, %eq3A_54 : vector<1024x2048xf32>
    %jit3A_56 = arith.constant 2.048000e+03 : f32
    %broadcast_in_dim3A_57 = vector.shape_cast %get3A_1 : vector<1024x1xf32> to vector<1024x1xf32>
    %broadcast_in_dim3A_58 = vector.broadcast %broadcast_in_dim3A_57 : vector<1024x1xf32> to vector<1024x2048xf32>
    %broadcast_in_dim3A_59 = vector.broadcast %jit3A_56 : f32 to vector<1024x2048xf32>
    %select_n3A_60 = arith.select %eq3A_55, %broadcast_in_dim3A_58, %broadcast_in_dim3A_59 : vector<1024x2048xi1>, vector<1024x2048xf32>
    %reduce_min3A_61 = arith.constant dense<0x7F800000> : vector<2048xf32>
    %reduce_min3A_62 = vector.multi_reduction <minimumf>, %select_n3A_60, %reduce_min3A_61 [0] : vector<1024x2048xf32> to vector<2048xf32>
    %convert_element_type3A_63 = arith.fptosi %reduce_min3A_62 : vector<2048xf32> to vector<2048xi32>
    %swap3A_64 = arith.constant 0 : index
    %swap3A_65 = arith.constant 0 : index
    %swap3A_66 = arith.constant 0 : index
    %swap3A_67 = vector.load %arg10[%swap3A_64, %swap3A_65, %swap3A_66] : memref<1x1x2048xi32, #tpu.memory_space<vmem>>, vector<1x1x2048xi32>
    %swap3A_68 = vector.shape_cast %swap3A_67 : vector<1x1x2048xi32> to vector<2048xi32>
    %swap3A_69 = vector.shape_cast %convert_element_type3A_63 : vector<2048xi32> to vector<1x1x2048xi32>
    tpu.vector_store %arg10[%swap3A_64, %swap3A_65, %swap3A_66], %swap3A_69 {strides = array<i32>} : memref<1x1x2048xi32, #tpu.memory_space<vmem>>, vector<1x1x2048xi32>,
    return
  }
  func.func @transform_0(%arg0: i32, %arg1: i32) -> (i32, i32, i32) {
    %c0_i32 = arith.constant 0 : i32
    %c0_i32_0 = arith.constant 0 : i32
    return %arg0, %c0_i32, %arg1 : i32, i32, i32
  }
  func.func @transform_1(%arg0: i32, %arg1: i32) -> (i32, i32, i32) {
    %c0_i32 = arith.constant 0 : i32
    %c0_i32_0 = arith.constant 0 : i32
    return %arg0, %c0_i32, %arg1 : i32, i32, i32
  }
  func.func @transform_2(%arg0: i32, %arg1: i32) -> (i32, i32) {
    %c0_i32 = arith.constant 0 : i32
    %c0_i32_0 = arith.constant 0 : i32
    %c0_i32_1 = arith.constant 0 : i32
    return %c0_i32, %c0_i32_0 : i32, i32
  }
  func.func @transform_3(%arg0: i32, %arg1: i32) -> (i32, i32) {
    %c0_i32 = arith.constant 0 : i32
    %c0_i32_0 = arith.constant 0 : i32
    %c0_i32_1 = arith.constant 0 : i32
    return %c0_i32, %c0_i32_0 : i32, i32
  }
  func.func @transform_4(%arg0: i32, %arg1: i32) -> (i32, i32) {
    %c0_i32 = arith.constant 0 : i32
    %c0_i32_0 = arith.constant 0 : i32
    %c0_i32_1 = arith.constant 0 : i32
    return %c0_i32, %c0_i32_0 : i32, i32
  }
  func.func @transform_5(%arg0: i32, %arg1: i32) -> (i32, i32) {
    %c0_i32 = arith.constant 0 : i32
    %c0_i32_0 = arith.constant 0 : i32
    %c0_i32_1 = arith.constant 0 : i32
    return %c0_i32, %c0_i32_0 : i32, i32
  }
  func.func @transform_6(%arg0: i32, %arg1: i32) -> (i32, i32) {
    %c0_i32 = arith.constant 0 : i32
    %c0_i32_0 = arith.constant 0 : i32
    %c0_i32_1 = arith.constant 0 : i32
    return %c0_i32, %c0_i32_0 : i32, i32
  }
  func.func @transform_7(%arg0: i32, %arg1: i32) -> (i32, i32, i32) {
    %c0_i32 = arith.constant 0 : i32
    %c0_i32_0 = arith.constant 0 : i32
    return %arg0, %c0_i32, %arg1 : i32, i32, i32
  }
  func.func @transform_8(%arg0: i32, %arg1: i32) -> (i32, i32, i32) {
    %c0_i32 = arith.constant 0 : i32
    %c0_i32_0 = arith.constant 0 : i32
    return %arg0, %c0_i32, %arg1 : i32, i32, i32
  }
}

</mosaic_0001>

<sc_bundles>
// kernel: kernel.4.cloned.1.call-start
scs
__scs_entry_jumppad:
0x0: {  	(pc) =	sbr.rel $0x88, $3  }
0x1: {  	(tag) =	ssettag $0x0;
	lr =	simm.s32 $0x1  }
0x2: {  	[smem:$0x3F9D] =	sst lr;
	_ =	strace $0xD0000000  }
0x3: {  	_ = 	snop  }
0x4: {  	_ = 	snop  }
0x5: {  	_ = 	snop  }
0x6: {  	_ = 	snop  }
0x7: {  	_ = 	snop  }
__scs_overlays_trampoline_lowered:
0x8: {  	[smem:$0x3FAC] =	sst s0  }
0x9: {  	[smem:$0x3FAD] =	sst s1  }
0xa: {  	[smem:$0x3FAE] =	sst s2  }
0xb: {  	[smem:$0x3FAF] =	sst s3  }
0xc: {  	[smem:$0x3FB0] =	sst s4  }
0xd: {  	[smem:$0x3FB1] =	sst s5  }
0xe: {  	[smem:$0x3FB2] =	sst s6  }
0xf: {  	[smem:$0x3FB3] =	sst s7  }
0x10: {  	[smem:$0x3FB4] =	sst s8  }
0x11: {  	[smem:$0x3FB5] =	sst s9;
	s0 =	simm.s32 @!p0 $0x0  }
0x12: {  	s1 =	sld [smem:$0x3F9B];
	s0 =	simm.s32 @p0 $0x1  }
0x13: {  	[smem:$0x3FB6] =	sst s0;
	s0 =	simm.s32 @!p1 $0x0  }
0x14: {  	s2 =	sld [smem:$0x3F9A];
	s0 =	simm.s32 @p1 $0x1  }
0x15: {  	[smem:$0x3FB7] =	sst s0;
	s0 =	simm.s32 @!p2 $0x0  }
0x16: {  	s3 =	sld [smem:$0x3FDB];
	s0 =	simm.s32 @p2 $0x1  }
0x17: {  	s4 =	simm.s32 $0x1BF5;
	[smem:$0x3FB9] =	sst s0  }
0x18: {  	s0 =	sld [smem:$0x3F9C];
	_ =	swait.ge [sflag:s4], $0x0  }
0x19: {  	s7 =	sld [smem:$0x3F9D]  }
0x1a: {  	s8 =	sadd.s32 $0xFFFFE003, lr  }
0x1b: {  	s9 =	sadd.s32 $0xFFFFFEF7, lr;
	s5 =	simm.s32 $0xFFFFFFFF;
	p2 =	slt.u32 s8, $0xFFFFF086  }
0x1c: {  	p1 =	slt.u32 s9, $0xF7A;
	s5 =	simm.s32 @!p2 $0x0  }
0x1d: {  	s5 =	simm.s32 @p1 $0x1;
	p0 =	seq.s32 s7, s2  }
0x1e: {  	s7 =	smul.u32 @!p0 $0xF7A, s2;
	p2 =	seq.s32 @!p0 s5, $0x0  }
0x1f: {  	s9 =	smul.u32 $0xF7A, s1;
	s8 =	simm.s32 @!p0 $0x1BF5;
	p2 =	por !p2, p0  }
0x20: {  	[sflag:s8] =	ssyncset.s32 @!p0 $0xFFFFF086;
	s6 =	sadd.s32 @!p0 s3, s7;
	s7 =	simm.s32 @!p0 $0x108  }
0x21: {  	s3 =	sadd.s32 s3, s9;
	s6 =	sadd.s32 @!p0 $0x88, s6;
	s7 =	simm.s32 @p2 $0x1082  }
0x22: {  	[simem:s7], [sflag:s8] =	dma.local @!p0 [hbm:s6], $0xF7A  }
0x23: {  	s9 =	sor.u32 $0xD0000000, s2;
	s6 =	simm.s32 $0x108;
	_ =	swait.ge @!p0 [sflag:s8], $0x0  }
0x24: {  	s3 =	sadd.s32 $0x88, s3;
	s6 =	simm.s32 @!p1 $0x1082;
	[sflag:s4] =	ssyncset.s32 $0xFFFFF086  }
0x25: {  	[simem:s6], [sflag:s4] =	dma.local [hbm:s3], $0xF7A  }
0x26: {  	[smem:$0x3F9D] =	sst s1;
	(tag) =	ssettag s2;
	_ =	strace s9  }
0x27: {  	s1 =	sld [smem:$0x3FAD]  }
0x28: {  	s2 =	sld [smem:$0x3FAE]  }
0x29: {  	s4 =	sld [smem:$0x3FB0]  }
0x2a: {  	p0 =	seq.s32 s5, $0x0;
	s5 =	sld [smem:$0x3FB1]  }
0x2b: {  	s6 =	sld [smem:$0x3FB2]  }
0x2c: {  	s7 =	sld [smem:$0x3FB3]  }
0x2d: {  	s3 =	simm.s32 $0x108;
	s8 =	sld [smem:$0x3FB4]  }
0x2e: {  	s3 =	simm.s32 @!p0 $0x1082;
	s9 =	sld [smem:$0x3FB5]  }
0x2f: {  	lr =	sadd.s32 s0, s3;
	s0 =	sld [smem:$0x3FAC]  }
0x30: {  	s3 =	sld [smem:$0x3FAF]  }
0x31: {  	[smem:$0x3FB8] =	sst s10  }
0x32: {  	s10 =	sld [smem:$0x3FB6];
	_ =	sdelay $0x3  }
0x33: {  	p0 =	seq.s32 s10, $0x1;
	s10 =	sld [smem:$0x3FB8];
	_ =	sdelay $0x3  }
0x34: {  	[smem:$0x3FB8] =	sst s10  }
0x35: {  	s10 =	sld [smem:$0x3FB7];
	_ =	sdelay $0x3  }
0x36: {  	p1 =	seq.s32 s10, $0x1;
	s10 =	sld [smem:$0x3FB8];
	_ =	sdelay $0x3  }
0x37: {  	[smem:$0x3FB8] =	sst s10  }
0x38: {  	s10 =	sld [smem:$0x3FB9]  }
0x39: {  	_ = 	snop;
	(pc) =	sbr.ind lr, $3  }
0x3a: {  	_ = 	snop  }
0x3b: {  	_ = 	snop  }
0x3c: {  	p2 =	seq.s32 s10, $0x1;
	s10 =	sld [smem:$0x3FB8]  }
0x3d: {  	_ =	shalt  }
0x3e: {  	_ =	shalt  }
0x3f: {  	_ =	shalt  }
0x40: {  	_ =	shalt  }
0x41: {  	_ =	shalt  }
0x42: {  	_ =	shalt  }
0x43: {  	_ =	shalt  }
0x44: {  	_ =	shalt  }
0x45: {  	_ =	shalt  }
0x46: {  	_ =	shalt  }
0x47: {  	_ =	shalt  }
0x48: {  	_ =	shalt  }
0x49: {  	_ =	shalt  }
0x4a: {  	_ =	shalt  }
0x4b: {  	_ =	shalt  }
0x4c: {  	_ =	shalt  }
0x4d: {  	_ =	shalt  }
0x4e: {  	_ =	shalt  }
0x4f: {  	_ =	shalt  }
0x50: {  	_ =	shalt  }
0x51: {  	_ =	shalt  }
0x52: {  	_ =	shalt  }
0x53: {  	_ =	shalt  }
0x54: {  	_ =	shalt  }
0x55: {  	_ =	shalt  }
0x56: {  	_ =	shalt  }
0x57: {  	_ =	shalt  }
0x58: {  	_ =	shalt  }
0x59: {  	_ =	shalt  }
0x5a: {  	_ =	shalt  }
0x5b: {  	_ =	shalt  }
0x5c: {  	_ =	shalt  }
0x5d: {  	_ =	shalt  }
0x5e: {  	_ =	shalt  }
0x5f: {  	_ =	shalt  }
0x60: {  	_ =	shalt  }
0x61: {  	_ =	shalt  }
0x62: {  	_ =	shalt  }
0x63: {  	_ =	shalt  }
0x64: {  	_ =	shalt  }
0x65: {  	_ =	shalt  }
0x66: {  	_ =	shalt  }
0x67: {  	_ =	shalt  }
0x68: {  	_ =	shalt  }
0x69: {  	_ =	shalt  }
0x6a: {  	_ =	shalt  }
0x6b: {  	_ =	shalt  }
0x6c: {  	_ =	shalt  }
0x6d: {  	_ =	shalt  }
0x6e: {  	_ =	shalt  }
0x6f: {  	_ =	shalt  }
0x70: {  	_ =	shalt  }
0x71: {  	_ =	shalt  }
0x72: {  	_ =	shalt  }
0x73: {  	_ =	shalt  }
0x74: {  	_ =	shalt  }
0x75: {  	_ =	shalt  }
0x76: {  	_ =	shalt  }
0x77: {  	_ =	shalt  }
0x78: {  	_ =	shalt  }
0x79: {  	_ =	shalt  }
0x7a: {  	_ =	shalt  }
0x7b: {  	_ =	shalt  }
0x7c: {  	_ =	shalt  }
0x7d: {  	_ =	shalt  }
0x7e: {  	_ =	shalt  }
0x7f: {  	_ =	shalt  }
0x80: {  	_ =	shalt  }
0x81: {  	_ =	shalt  }
0x82: {  	_ =	shalt  }
0x83: {  	_ =	shalt  }
0x84: {  	_ =	shalt  }
0x85: {  	_ =	shalt  }
0x86: {  	_ =	shalt  }
0x87: {  	_ =	shalt  }
.Lfunc_end0:
.L_simem_size_0:
called_computation_lowered:
.L_overlay_start_0:
0x88: {  	s2 =	sld [smem:$0x3FD9]  }
0x89: {  	s3 =	sld [smem:$0x3FFE];
	_ =	sdelay $0x1  }
0x8a: {  	s1 =	srdreg.scid  }
0x8b: {  	s0 =	sand.u32 $0x1, s1  }
0x8c: {  	s17 =	sshll.u32 s0, $0xA;
	s2 =	sadd.s32 s3, s2  }
0x8d: {  	s2 =	sadd.s32 s2, s17  }
0x8e: {  	[smem:$0x3FC4] =	sst s2  }
0x8f: {  	_ = 	snop  }
0x90: {  	s2 =	sld [smem:$0x3FD0];
	(tm) =	ssettm $0x1  }
0x91: {  	s18 =	sld [smem:$0x3FFB];
	_ =	sdelay $0x3  }
0x92: {  	_ =	strace s18  }
0x93: {  	s3 =	sld [smem:$0x3FFC];
	_ =	sdelay $0x3  }
0x94: {  	_ =	strace s3  }
0x95: {  	s3 =	sld [smem:$0x3FFD];
	_ =	sdelay $0x3  }
0x96: {  	_ =	strace s3  }
0x97: {  	_ =	strace $0x8FFFFFFF  }
0x98: {  	s19 =	sld [smem:$0x3FDB];
	_ =	sdelay $0x1  }
0x99: {  	s4 =	simm.s32 $_scs_section_size  }
0x9a: {  	s5 =	simm.s32 $_size__tile_overlayer_lowered;
	s6 =	simm.s32 $_tile_overlayer_lowered  }
0x9b: {  	s22 =	simm.s32 $0x1BFF;
	s21 =	sshll.u32 s6, $0x1;
	s3 =	sadd.s32 s4, s19  }
0x9c: {  	s7 =	simm.s32 $0x0;
	s20 =	sshll.u32 s5, $0x1;
	s5 =	sadd.s32 s21, s3  }
0x9d: {  	[timem:s7], [sflag:s22] =	dma.local [hbm:s5], s20  }
0x9e: {  	_ =	swait.ge [sflag:s22], s20  }
0x9f: {  	s4 =	ssub.s32 $0x0, s20;
	[sflag:s22] =	ssyncset.done $0x0  }
0xa0: {  	[sflag:s22] =	ssyncadd.s32 s4;
	_ =	sdelay $0x1  }
0xa1: {  	s23 =	simm.s32 $0x1B8B  }
0xa2: {  	_ =	swait.ge [sflag:s23], $0x1  }
0xa3: {  	[sflag:s23] =	ssyncset.done $0x0  }
0xa4: {  	s25 =	simm.s32 $0x1B8E;
	s24 =	sld [smem:$0x3FFE];
	[sflag:s23] =	ssyncadd.s32 $0xFFFFFFFF  }
0xa5: {  	s26 =	simm.s32 $execute0_lowered;
	[smem:$0x3FD2] =	sst s25  }
0xa6: {  	s5 =	sshll.u32 s26, $0x1;
	_ =	strace $0x80000046;
	[dreg:$0x1] =	wrdreg $0xFFFFFFFF  }
0xa7: {  	s28 =	simm.s32 $_size_execute0_lowered;
	s3 =	sadd.s32 s3, s5;
	[dreg:$0x0] =	wrdreg $0x0  }
0xa8: {  	s5 =	sshll.u32 s28, $0x1;
	[dreg:$0x2] =	wrdreg s3  }
0xa9: {  	[dreg:$0x3] =	wrdreg s5  }
0xaa: {  	[dreg:$0x4] =	wrdreg $0xC0  }
0xab: {  	_ =	task [dreg:s7], $0x5FFFF  }
0xac: {  	[dreg:$0x1] =	wrdreg $0xFFFFFFFF  }
0xad: {  	[dreg:$0x0] =	wrdreg $0x60  }
0xae: {  	[dreg:$0x2] =	wrdreg s24  }
0xaf: {  	[dreg:$0x3] =	wrdreg s2  }
0xb0: {  	[dreg:$0x4] =	wrdreg $0x88000  }
0xb1: {  	[dreg:$0x5] =	wrdreg $0xA8000  }
0xb2: {  	[dreg:$0x6] =	wrdreg $0x9  }
0xb3: {  	_ =	task.clear_ibuf [dreg:s7], $0x7FFFF;
	_ =	strace $0x90000046  }
0xb4: {  	s29 =	simm.s32 $0x9;
	_ =	strace $0x80000048  }
0xb5: {  	_ =	swait.ge [sflag:s29], $0x1  }
0xb6: {  	[sflag:s29] =	ssyncadd.s32 $0xFFFFFFFF  }
0xb7: {  	_ =	strace $0x90000048  }
0xb8: {  	_ =	sfence  }
0xb9: {  	s30 =	sld [smem:$0x0];
	_ =	sdelay $0x2  }
0xba: {  	s31 =	sshll.u32 s1, $0xD;
	s1 =	sshrl.u32 s1, $0x2  }
0xbb: {  	s3 =	sand.u32 $0x4000, s31;
	s1 =	sadd.s32 s1, s30  }
0xbc: {  	s0 =	sor.u32 s3, s0;
	s1 =	sshll.u32 s1, $0x11  }
0xbd: {  	s0 =	sor.u32 s1, s0  }
0xbe: {  	s0 =	sadd.s32 $0x8F2B, s0  }
0xbf: {  	[sflag:s0] =	ssyncadd.remote.s32 $0x1  }
0xc0: {  	_ =	sfence.sel $0xFFFF  }
0xc1: {  	[dreg:$0x0] =	wrdreg $0xFFFFFFFF;
	(pc) =	sbr.abs _section_cstart, $3  }
0xc2: {  	[dreg:$0x1] =	wrdreg $0xFFFFFFFF  }
0xc3: {  	_ =	task.clear_ibuf [dreg:s7], $0x2FFFF;
	_ =	strace $0x9FFFFFFF  }
0xc4: {  	(tm) =	ssettm $0x7FFFFFFF  }
0xc5: {  	_ =	shalt  }
tec
execute0_lowered:
.L_overlay_start_1:
0x0: {  	(tag) =	ssettag $0x1  }
0x1: {  	s0 =	rddreg [dreg:$0x0]  }
0x2: {  	s4 =	rddreg [dreg:$0x1]  }
0x3: {  	s3 =	rddreg [dreg:$0x2]  }
0x4: {  	s1 =	rddreg [dreg:$0x3];
	s2 =	srdreg.scid  }
0x5: {  	s30 =	rddreg [dreg:$0x4];
	s5 =	stileid.u32  }
0x6: {  	s15 =	simm.s32 $0x280;
	s14 =	simm.s32 $0x680;
	s13 =	simm.s32 $0x300  }
0x7: {  	p1 =	por $0x0, $0x0;
	s12 =	simm.s32 $0x700;
	s11 =	simm.s32 $0x380  }
0x8: {  	s10 =	simm.s32 $0x780;
	s6 =	sand.u32 $0x1, s2;
	s2 =	simm.s32 $0x0  }
0x9: {  	s7 =	sshll.u32 s5, $0xB;
	s16 =	sadd.s32 $0x800, s0;
	s17 =	sadd.s32 $0x4800, s0  }
0xa: {  	p0 =	sne.s32 s5, $0x0;
	s5 =	simm.s32 $0x4800;
	s8 =	sshll.u32 s6, $0xA  }
0xb: {  	[smem:$0x7FF] =	sst s2;
	s23 =	ssub.s32 $0x2, s6;
	s28 =	sshrl.u32 @!p0 s3, $0x3  }
0xc: {  	s7 =	sor.u32 s8, s7;
	_ =	strace $0x80000047;
	[dreg:$0x5] =	wrdreg s16  }
0xd: {  	[dreg:$0x6] =	wrdreg s17;
	s6 =	sshrl.u32 s23, $0x1;
	s9 =	sshrl.u32 s7, $0x3  }
0xe: {  	s8 =	simm.s32 $0x1;
	s7 =	sshll.u32 s7, $0x4;
	s0 =	sadd.s32 s9, s0  }
0xf: {  	s16 =	simm.s32 $0x600;
	s17 =	sadd.s32 s4, s7;
	s18 =	sadd.s32 $0x8800, s0  }
0x10: {  	s4 =	ssub.s32 s23, s6;
	s0 =	sadd.s32 $0x9800, s0;
	[dreg:$0x7] =	wrdreg s18  }
0x11: {  	s6 =	simm.s32 $0x80;
	s19 =	sadd.s32 $0x800, s17;
	[dreg:$0x8] =	wrdreg s0  }
0x12: {  	s9 =	simm.s32 $0x800;
	s20 =	sadd.s32 $0x1000, s17;
	[dreg:$0x9] =	wrdreg s19  }
0x13: {  	s7 =	simm.s32 $0x2;
	s21 =	sadd.s32 $0x1800, s17;
	[dreg:$0xa] =	wrdreg s20  }
0x14: {  	s22 =	sadd.s32 $0x2000, s17;
	s29 =	smax.u32 s4, $0x1;
	[dreg:$0xb] =	wrdreg s21  }
0x15: {  	s24 =	sadd.s32 $0x2800, s17;
	[dreg:$0xc] =	wrdreg s22;
	s31 =	sadd.s32 $0xFFFFFFFF, s29  }
0x16: {  	s25 =	sadd.s32 $0x3000, s17;
	[dreg:$0xd] =	wrdreg s24;
	p2 =	sne.s32 s31, $0x0  }
.Ltmp0:
0x17: {  	s26 =	sadd.s32 $0x3800, s17;
	[dreg:$0xe] =	wrdreg s25;
	(pc) =	sbr.rel @!p2 .LBB2_5-.Ltmp0, $4  }
0x18: {  	s23 =	simm.s32 $0x480;
	s4 =	simm.s32 $0x3;
	[dreg:$0xf] =	wrdreg s26  }
0x19: {  	s26 =	sshrl.u32 @!p0 s1, $0x3;
	s25 =	simm.s32 $0x4;
	s24 =	simm.s32 $0x400  }
0x1a: {  	s22 =	simm.s32 $0x100;
	s21 =	simm.s32 $0x500;
	s20 =	simm.s32 $0x180  }
0x1b: {  	s19 =	simm.s32 $0x580;
	s18 =	simm.s32 $0x200;
	s0 =	rddreg [dreg:$0x5]  }
0x1c: {  	s29 =	simm.s32 @!p0 $0x1C04;
	s30 =	simm.s32 @!p0 $0x4  }
0x1d: {  	[spmem:s28], [sflag:s29] =	dma.local @!p0 [hbm:s0], $0x4000  }
0x1e: {  	_ =	swait.ge @!p0 [sflag:s30], $0x4000  }
0x1f: {  	[sflag:s30] =	ssyncset.done @!p0 $0x0  }
0x20: {  	s0 =	rddreg [dreg:$0x6];
	[sflag:s30] =	ssyncadd.s32 @!p0 $0xFFFFC000  }
0x21: {  	[spmem:s26], [sflag:s29] =	dma.local @!p0 [hbm:s0], $0x4000  }
0x22: {  	_ =	swait.ge @!p0 [sflag:s30], $0x4000  }
0x23: {  	[sflag:s30] =	ssyncset.done @!p0 $0x0  }
0x24: {  	[sflag:s30] =	ssyncadd.s32 @!p0 $0xFFFFC000  }
0x25: {  	[bflag:$0x0] =	sbarrier.arrive $0xFFFF  }
0x26: {  	s0 =	rddreg [dreg:$0x7]  }
0x27: {  	[tilespmem:s2], [sflag:$0x4] =	stream.linear.gather [hbm4b:s0+s2], $0x400, $0x38;
	[tilespmem:$0xC800] =	vst v63  }
0x28: {  	_ =	swait.ge [sflag:s25], $0x400  }
0x29: {  	[sflag:s25] =	ssyncset.done $0x0  }
0x2a: {  	s0 =	rddreg [dreg:$0x8];
	[sflag:s25] =	ssyncadd.s32 $0xFFFFFC00  }
0x2b: {  	[tilespmem:s24], [sflag:$0x4] =	stream.linear.gather [hbm4b:s0+s2], $0x400, $0x38;
	[tilespmem:$0xC800] =	vst v63  }
0x2c: {  	_ =	swait.ge [sflag:s25], $0x400  }
0x2d: {  	[sflag:s25] =	ssyncset.done $0x0  }
0x2e: {  	[sflag:s25] =	ssyncadd.s32 $0xFFFFFC00  }
0x2f: {  	[tilespmem:s9], [sflag:$0x1] =	stream.indirect.gather [spmem:s3], $0x80, s2, s6, $0xb8;
	[tilespmem:$0xC800] =	vst v63  }
0x30: {  	_ =	swait.ge [sflag:s8], $0x4000  }
0x31: {  	[sflag:s8] =	ssyncset.done $0x0  }
0x32: {  	[sflag:s8] =	ssyncadd.s32 $0xFFFFC000  }
0x33: {  	[tilespmem:s9], [sflag:$0x2] =	stream.indirect.gather.add.f32 [spmem:s1], $0x80, s24, s6, $0xb8;
	[tilespmem:$0xC800] =	vst v63  }
0x34: {  	_ = 	snop  }
0x35: {  	[tilespmem:s5], [sflag:$0x1] =	stream.indirect.gather [spmem:s3], $0x80, s6, s6, $0xb8;
	[tilespmem:$0xC800] =	vst v63  }
0x36: {  	_ =	swait.ge [sflag:s7], $0x4000  }
0x37: {  	[sflag:s7] =	ssyncset.done $0x0  }
0x38: {  	[sflag:s7] =	ssyncadd.s32 $0xFFFFC000  }
0x39: {  	[hbm4b:s17+s2] =	stream.linear.scatter [tilespmem:s9], [sflag:$0x3], $0x4000, $0x38;
	[tilespmem:$0xC800] =	vst v63  }
0x3a: {  	_ =	swait.ge [sflag:s8], $0x4000  }
0x3b: {  	[sflag:s8] =	ssyncset.done $0x0  }
0x3c: {  	[sflag:s8] =	ssyncadd.s32 $0xFFFFC000  }
0x3d: {  	[tilespmem:s5], [sflag:$0x2] =	stream.indirect.gather.add.f32 [spmem:s1], $0x80, s23, s6, $0xb8;
	[tilespmem:$0xC800] =	vst v63  }
0x3e: {  	_ =	swait.ge [sflag:s4], $0x4000  }
0x3f: {  	[sflag:s4] =	ssyncset.done $0x0  }
0x40: {  	[sflag:s4] =	ssyncadd.s32 $0xFFFFC000  }
0x41: {  	[tilespmem:s9], [sflag:$0x1] =	stream.indirect.gather [spmem:s3], $0x80, s22, s6, $0xb8;
	[tilespmem:$0xC800] =	vst v63  }
0x42: {  	_ =	swait.ge [sflag:s7], $0x4000  }
0x43: {  	[sflag:s7] =	ssyncset.done $0x0  }
0x44: {  	s0 =	rddreg [dreg:$0x9];
	[sflag:s7] =	ssyncadd.s32 $0xFFFFC000  }
0x45: {  	[hbm4b:s0+s2] =	stream.linear.scatter [tilespmem:s5], [sflag:$0x3], $0x4000, $0x38;
	[tilespmem:$0xC800] =	vst v63  }
0x46: {  	_ =	swait.ge [sflag:s8], $0x4000  }
0x47: {  	[sflag:s8] =	ssyncset.done $0x0  }
0x48: {  	[sflag:s8] =	ssyncadd.s32 $0xFFFFC000  }
0x49: {  	[tilespmem:s9], [sflag:$0x2] =	stream.indirect.gather.add.f32 [spmem:s1], $0x80, s21, s6, $0xb8;
	[tilespmem:$0xC800] =	vst v63  }
0x4a: {  	_ =	swait.ge [sflag:s4], $0x4000  }
0x4b: {  	[sflag:s4] =	ssyncset.done $0x0  }
0x4c: {  	[sflag:s4] =	ssyncadd.s32 $0xFFFFC000  }
0x4d: {  	[tilespmem:s5], [sflag:$0x1] =	stream.indirect.gather [spmem:s3], $0x80, s20, s6, $0xb8;
	[tilespmem:$0xC800] =	vst v63  }
0x4e: {  	_ =	swait.ge [sflag:s7], $0x4000  }
0x4f: {  	[sflag:s7] =	ssyncset.done $0x0  }
0x50: {  	s0 =	rddreg [dreg:$0xa];
	[sflag:s7] =	ssyncadd.s32 $0xFFFFC000  }
0x51: {  	[hbm4b:s0+s2] =	stream.linear.scatter [tilespmem:s9], [sflag:$0x3], $0x4000, $0x38;
	[tilespmem:$0xC800] =	vst v63  }
0x52: {  	_ =	swait.ge [sflag:s8], $0x4000  }
0x53: {  	[sflag:s8] =	ssyncset.done $0x0  }
0x54: {  	[sflag:s8] =	ssyncadd.s32 $0xFFFFC000  }
0x55: {  	[tilespmem:s5], [sflag:$0x2] =	stream.indirect.gather.add.f32 [spmem:s1], $0x80, s19, s6, $0xb8;
	[tilespmem:$0xC800] =	vst v63  }
0x56: {  	_ =	swait.ge [sflag:s4], $0x4000  }
0x57: {  	[sflag:s4] =	ssyncset.done $0x0  }
0x58: {  	[sflag:s4] =	ssyncadd.s32 $0xFFFFC000  }
0x59: {  	[tilespmem:s9], [sflag:$0x1] =	stream.indirect.gather [spmem:s3], $0x80, s18, s6, $0xb8;
	[tilespmem:$0xC800] =	vst v63  }
0x5a: {  	_ =	swait.ge [sflag:s7], $0x4000  }
0x5b: {  	[sflag:s7] =	ssyncset.done $0x0  }
0x5c: {  	s0 =	rddreg [dreg:$0xb];
	[sflag:s7] =	ssyncadd.s32 $0xFFFFC000  }
0x5d: {  	[hbm4b:s0+s2] =	stream.linear.scatter [tilespmem:s5], [sflag:$0x3], $0x4000, $0x38;
	[tilespmem:$0xC800] =	vst v63  }
0x5e: {  	_ =	swait.ge [sflag:s8], $0x4000  }
0x5f: {  	[sflag:s8] =	ssyncset.done $0x0  }
0x60: {  	[sflag:s8] =	ssyncadd.s32 $0xFFFFC000  }
0x61: {  	[tilespmem:s9], [sflag:$0x2] =	stream.indirect.gather.add.f32 [spmem:s1], $0x80, s16, s6, $0xb8;
	[tilespmem:$0xC800] =	vst v63  }
0x62: {  	_ =	swait.ge [sflag:s4], $0x4000  }
0x63: {  	[sflag:s4] =	ssyncset.done $0x0  }
0x64: {  	[sflag:s4] =	ssyncadd.s32 $0xFFFFC000  }
0x65: {  	[tilespmem:s5], [sflag:$0x1] =	stream.indirect.gather [spmem:s3], $0x80, s15, s6, $0xb8;
	[tilespmem:$0xC800] =	vst v63  }
0x66: {  	_ =	swait.ge [sflag:s7], $0x4000  }
0x67: {  	[sflag:s7] =	ssyncset.done $0x0  }
0x68: {  	s0 =	rddreg [dreg:$0xc];
	[sflag:s7] =	ssyncadd.s32 $0xFFFFC000  }
0x69: {  	[hbm4b:s0+s2] =	stream.linear.scatter [tilespmem:s9], [sflag:$0x3], $0x4000, $0x38;
	[tilespmem:$0xC800] =	vst v63  }
0x6a: {  	_ =	swait.ge [sflag:s8], $0x4000  }
0x6b: {  	[sflag:s8] =	ssyncset.done $0x0  }
0x6c: {  	[sflag:s8] =	ssyncadd.s32 $0xFFFFC000  }
0x6d: {  	[tilespmem:s5], [sflag:$0x2] =	stream.indirect.gather.add.f32 [spmem:s1], $0x80, s14, s6, $0xb8;
	[tilespmem:$0xC800] =	vst v63  }
0x6e: {  	_ =	swait.ge [sflag:s4], $0x4000  }
0x6f: {  	[sflag:s4] =	ssyncset.done $0x0  }
0x70: {  	[sflag:s4] =	ssyncadd.s32 $0xFFFFC000  }
0x71: {  	[tilespmem:s9], [sflag:$0x1] =	stream.indirect.gather [spmem:s3], $0x80, s13, s6, $0xb8;
	[tilespmem:$0xC800] =	vst v63  }
0x72: {  	_ =	swait.ge [sflag:s7], $0x4000  }
0x73: {  	[sflag:s7] =	ssyncset.done $0x0  }
0x74: {  	s0 =	rddreg [dreg:$0xd];
	[sflag:s7] =	ssyncadd.s32 $0xFFFFC000  }
0x75: {  	[hbm4b:s0+s2] =	stream.linear.scatter [tilespmem:s5], [sflag:$0x3], $0x4000, $0x38;
	[tilespmem:$0xC800] =	vst v63  }
0x76: {  	_ =	swait.ge [sflag:s8], $0x4000  }
0x77: {  	[sflag:s8] =	ssyncset.done $0x0  }
0x78: {  	[sflag:s8] =	ssyncadd.s32 $0xFFFFC000  }
0x79: {  	[tilespmem:s9], [sflag:$0x2] =	stream.indirect.gather.add.f32 [spmem:s1], $0x80, s12, s6, $0xb8;
	[tilespmem:$0xC800] =	vst v63  }
0x7a: {  	_ =	swait.ge [sflag:s4], $0x4000  }
0x7b: {  	[sflag:s4] =	ssyncset.done $0x0  }
0x7c: {  	[sflag:s4] =	ssyncadd.s32 $0xFFFFC000  }
0x7d: {  	[tilespmem:s5], [sflag:$0x1] =	stream.indirect.gather [spmem:s3], $0x80, s11, s6, $0xb8;
	[tilespmem:$0xC800] =	vst v63  }
0x7e: {  	_ =	swait.ge [sflag:s7], $0x4000  }
0x7f: {  	[sflag:s7] =	ssyncset.done $0x0  }
0x80: {  	s0 =	rddreg [dreg:$0xe];
	[sflag:s7] =	ssyncadd.s32 $0xFFFFC000  }
0x81: {  	[hbm4b:s0+s2] =	stream.linear.scatter [tilespmem:s9], [sflag:$0x3], $0x4000, $0x38;
	[tilespmem:$0xC800] =	vst v63  }
0x82: {  	_ =	swait.ge [sflag:s8], $0x4000  }
0x83: {  	[sflag:s8] =	ssyncset.done $0x0  }
0x84: {  	[sflag:s8] =	ssyncadd.s32 $0xFFFFC000  }
0x85: {  	[tilespmem:s5], [sflag:$0x2] =	stream.indirect.gather.add.f32 [spmem:s1], $0x80, s10, s6, $0xb8;
	[tilespmem:$0xC800] =	vst v63  }
0x86: {  	_ =	swait.ge [sflag:s7], $0x4000  }
0x87: {  	s31 =	sadd.s32 $0xFFFFFFFF, s31;
	[sflag:s7] =	ssyncset.done $0x0  }
0x88: {  	p2 =	sne.s32 s31, $0x0;
	s0 =	rddreg [dreg:$0xf];
	[sflag:s7] =	ssyncadd.s32 $0xFFFFC000  }
0x89: {  	[hbm4b:s0+s2] =	stream.linear.scatter [tilespmem:s5], [sflag:$0x3], $0x4000, $0x38;
	[tilespmem:$0xC800] =	vst v63  }
.Ltmp1:
0x8a: {  	_ =	swait.ge [sflag:s4], $0x4000;
	(pc) =	sbr.rel @!p2 .LBB2_2-.Ltmp1, $4  }
0x8b: {  	[sflag:s4] =	ssyncset.done $0x0  }
0x8c: {  	[sflag:s4] =	ssyncadd.s32 $0xFFFFC000  }
0x8d: {  	_ =	swait.ge [sflag:s4], $0x4000  }
0x8e: {  	p1 =	por $0x1, $0x1;
	s0 =	rddreg [dreg:$0x5];
	[sflag:s4] =	ssyncset.done $0x0  }
.LBB2_3:
0x8f: {  	[sflag:s4] =	ssyncadd.s32 $0xFFFFC000  }
0x90: {  	[spmem:s28], [sflag:s29] =	dma.local @!p0 [hbm:s0], $0x4000  }
0x91: {  	_ =	swait.ge @!p0 [sflag:s30], $0x4000  }
0x92: {  	[sflag:s30] =	ssyncset.done @!p0 $0x0  }
0x93: {  	s0 =	rddreg [dreg:$0x6];
	[sflag:s30] =	ssyncadd.s32 @!p0 $0xFFFFC000  }
0x94: {  	[spmem:s26], [sflag:s29] =	dma.local @!p0 [hbm:s0], $0x4000  }
0x95: {  	_ =	swait.ge @!p0 [sflag:s30], $0x4000  }
0x96: {  	[sflag:s30] =	ssyncset.done @!p0 $0x0  }
0x97: {  	[sflag:s30] =	ssyncadd.s32 @!p0 $0xFFFFC000  }
0x98: {  	[bflag:$0x0] =	sbarrier.arrive $0xFFFF  }
0x99: {  	s0 =	rddreg [dreg:$0x7]  }
0x9a: {  	[tilespmem:s2], [sflag:$0x4] =	stream.linear.gather [hbm4b:s0+s2], $0x400, $0x38;
	[tilespmem:$0xC800] =	vst v63  }
0x9b: {  	_ =	swait.ge [sflag:s25], $0x400  }
0x9c: {  	[sflag:s25] =	ssyncset.done $0x0  }
0x9d: {  	s0 =	rddreg [dreg:$0x8];
	[sflag:s25] =	ssyncadd.s32 $0xFFFFFC00  }
0x9e: {  	[tilespmem:s24], [sflag:$0x4] =	stream.linear.gather [hbm4b:s0+s2], $0x400, $0x38;
	[tilespmem:$0xC800] =	vst v63  }
0x9f: {  	_ =	swait.ge [sflag:s25], $0x400  }
0xa0: {  	[sflag:s25] =	ssyncset.done $0x0  }
0xa1: {  	[sflag:s25] =	ssyncadd.s32 $0xFFFFFC00  }
0xa2: {  	[tilespmem:s9], [sflag:$0x1] =	stream.indirect.gather [spmem:s3], $0x80, s2, s6, $0xb8;
	[tilespmem:$0xC800] =	vst v63  }
0xa3: {  	_ =	swait.ge [sflag:s8], $0x4000  }
0xa4: {  	[sflag:s8] =	ssyncset.done $0x0  }
0xa5: {  	[sflag:s8] =	ssyncadd.s32 $0xFFFFC000  }
0xa6: {  	[tilespmem:s9], [sflag:$0x2] =	stream.indirect.gather.add.f32 [spmem:s1], $0x80, s24, s6, $0xb8;
	[tilespmem:$0xC800] =	vst v63  }
0xa7: {  	_ = 	snop  }
0xa8: {  	[tilespmem:s5], [sflag:$0x1] =	stream.indirect.gather [spmem:s3], $0x80, s6, s6, $0xb8;
	[tilespmem:$0xC800] =	vst v63  }
0xa9: {  	_ =	swait.ge [sflag:s7], $0x4000  }
0xaa: {  	[sflag:s7] =	ssyncset.done $0x0  }
0xab: {  	[sflag:s7] =	ssyncadd.s32 $0xFFFFC000  }
0xac: {  	[hbm4b:s17+s2] =	stream.linear.scatter [tilespmem:s9], [sflag:$0x3], $0x4000, $0x38;
	[tilespmem:$0xC800] =	vst v63  }
0xad: {  	_ =	swait.ge [sflag:s8], $0x4000  }
0xae: {  	[sflag:s8] =	ssyncset.done $0x0  }
0xaf: {  	[sflag:s8] =	ssyncadd.s32 $0xFFFFC000  }
0xb0: {  	[tilespmem:s5], [sflag:$0x2] =	stream.indirect.gather.add.f32 [spmem:s1], $0x80, s23, s6, $0xb8;
	[tilespmem:$0xC800] =	vst v63  }
0xb1: {  	_ =	swait.ge [sflag:s4], $0x4000  }
0xb2: {  	[sflag:s4] =	ssyncset.done $0x0  }
0xb3: {  	[sflag:s4] =	ssyncadd.s32 $0xFFFFC000  }
0xb4: {  	[tilespmem:s9], [sflag:$0x1] =	stream.indirect.gather [spmem:s3], $0x80, s22, s6, $0xb8;
	[tilespmem:$0xC800] =	vst v63  }
0xb5: {  	_ =	swait.ge [sflag:s7], $0x4000  }
0xb6: {  	[sflag:s7] =	ssyncset.done $0x0  }
0xb7: {  	s0 =	rddreg [dreg:$0x9];
	[sflag:s7] =	ssyncadd.s32 $0xFFFFC000  }
0xb8: {  	[hbm4b:s0+s2] =	stream.linear.scatter [tilespmem:s5], [sflag:$0x3], $0x4000, $0x38;
	[tilespmem:$0xC800] =	vst v63  }
0xb9: {  	_ =	swait.ge [sflag:s8], $0x4000  }
0xba: {  	[sflag:s8] =	ssyncset.done $0x0  }
0xbb: {  	[sflag:s8] =	ssyncadd.s32 $0xFFFFC000  }
0xbc: {  	[tilespmem:s9], [sflag:$0x2] =	stream.indirect.gather.add.f32 [spmem:s1], $0x80, s21, s6, $0xb8;
	[tilespmem:$0xC800] =	vst v63  }
0xbd: {  	_ =	swait.ge [sflag:s4], $0x4000  }
0xbe: {  	[sflag:s4] =	ssyncset.done $0x0  }
0xbf: {  	[sflag:s4] =	ssyncadd.s32 $0xFFFFC000  }
0xc0: {  	[tilespmem:s5], [sflag:$0x1] =	stream.indirect.gather [spmem:s3], $0x80, s20, s6, $0xb8;
	[tilespmem:$0xC800] =	vst v63  }
0xc1: {  	_ =	swait.ge [sflag:s7], $0x4000  }
0xc2: {  	[sflag:s7] =	ssyncset.done $0x0  }
0xc3: {  	s0 =	rddreg [dreg:$0xa];
	[sflag:s7] =	ssyncadd.s32 $0xFFFFC000  }
0xc4: {  	[hbm4b:s0+s2] =	stream.linear.scatter [tilespmem:s9], [sflag:$0x3], $0x4000, $0x38;
	[tilespmem:$0xC800] =	vst v63  }
0xc5: {  	_ =	swait.ge [sflag:s8], $0x4000  }
0xc6: {  	[sflag:s8] =	ssyncset.done $0x0  }
0xc7: {  	[sflag:s8] =	ssyncadd.s32 $0xFFFFC000  }
0xc8: {  	[tilespmem:s5], [sflag:$0x2] =	stream.indirect.gather.add.f32 [spmem:s1], $0x80, s19, s6, $0xb8;
	[tilespmem:$0xC800] =	vst v63  }
0xc9: {  	_ =	swait.ge [sflag:s4], $0x4000  }
0xca: {  	[sflag:s4] =	ssyncset.done $0x0  }
0xcb: {  	[sflag:s4] =	ssyncadd.s32 $0xFFFFC000  }
0xcc: {  	[tilespmem:s9], [sflag:$0x1] =	stream.indirect.gather [spmem:s3], $0x80, s18, s6, $0xb8;
	[tilespmem:$0xC800] =	vst v63  }
0xcd: {  	_ =	swait.ge [sflag:s7], $0x4000  }
0xce: {  	[sflag:s7] =	ssyncset.done $0x0  }
0xcf: {  	s0 =	rddreg [dreg:$0xb];
	[sflag:s7] =	ssyncadd.s32 $0xFFFFC000  }
0xd0: {  	[hbm4b:s0+s2] =	stream.linear.scatter [tilespmem:s5], [sflag:$0x3], $0x4000, $0x38;
	[tilespmem:$0xC800] =	vst v63  }
0xd1: {  	_ =	swait.ge [sflag:s8], $0x4000  }
0xd2: {  	[sflag:s8] =	ssyncset.done $0x0  }
0xd3: {  	[sflag:s8] =	ssyncadd.s32 $0xFFFFC000  }
0xd4: {  	[tilespmem:s9], [sflag:$0x2] =	stream.indirect.gather.add.f32 [spmem:s1], $0x80, s16, s6, $0xb8;
	[tilespmem:$0xC800] =	vst v63  }
0xd5: {  	_ =	swait.ge [sflag:s4], $0x4000  }
0xd6: {  	[sflag:s4] =	ssyncset.done $0x0  }
0xd7: {  	[sflag:s4] =	ssyncadd.s32 $0xFFFFC000  }
0xd8: {  	[tilespmem:s5], [sflag:$0x1] =	stream.indirect.gather [spmem:s3], $0x80, s15, s6, $0xb8;
	[tilespmem:$0xC800] =	vst v63  }
0xd9: {  	_ =	swait.ge [sflag:s7], $0x4000  }
0xda: {  	[sflag:s7] =	ssyncset.done $0x0  }
0xdb: {  	s0 =	rddreg [dreg:$0xc];
	[sflag:s7] =	ssyncadd.s32 $0xFFFFC000  }
0xdc: {  	[hbm4b:s0+s2] =	stream.linear.scatter [tilespmem:s9], [sflag:$0x3], $0x4000, $0x38;
	[tilespmem:$0xC800] =	vst v63  }
0xdd: {  	_ =	swait.ge [sflag:s8], $0x4000  }
0xde: {  	[sflag:s8] =	ssyncset.done $0x0  }
0xdf: {  	[sflag:s8] =	ssyncadd.s32 $0xFFFFC000  }
0xe0: {  	[tilespmem:s5], [sflag:$0x2] =	stream.indirect.gather.add.f32 [spmem:s1], $0x80, s14, s6, $0xb8;
	[tilespmem:$0xC800] =	vst v63  }
0xe1: {  	_ =	swait.ge [sflag:s4], $0x4000  }
0xe2: {  	[sflag:s4] =	ssyncset.done $0x0  }
0xe3: {  	[sflag:s4] =	ssyncadd.s32 $0xFFFFC000  }
0xe4: {  	[tilespmem:s9], [sflag:$0x1] =	stream.indirect.gather [spmem:s3], $0x80, s13, s6, $0xb8;
	[tilespmem:$0xC800] =	vst v63  }
0xe5: {  	_ =	swait.ge [sflag:s7], $0x4000  }
0xe6: {  	[sflag:s7] =	ssyncset.done $0x0  }
0xe7: {  	s0 =	rddreg [dreg:$0xd];
	[sflag:s7] =	ssyncadd.s32 $0xFFFFC000  }
0xe8: {  	[hbm4b:s0+s2] =	stream.linear.scatter [tilespmem:s5], [sflag:$0x3], $0x4000, $0x38;
	[tilespmem:$0xC800] =	vst v63  }
0xe9: {  	_ =	swait.ge [sflag:s8], $0x4000  }
0xea: {  	[sflag:s8] =	ssyncset.done $0x0  }
0xeb: {  	[sflag:s8] =	ssyncadd.s32 $0xFFFFC000  }
0xec: {  	[tilespmem:s9], [sflag:$0x2] =	stream.indirect.gather.add.f32 [spmem:s1], $0x80, s12, s6, $0xb8;
	[tilespmem:$0xC800] =	vst v63  }
0xed: {  	_ =	swait.ge [sflag:s4], $0x4000  }
0xee: {  	[sflag:s4] =	ssyncset.done $0x0  }
0xef: {  	[sflag:s4] =	ssyncadd.s32 $0xFFFFC000  }
0xf0: {  	[tilespmem:s5], [sflag:$0x1] =	stream.indirect.gather [spmem:s3], $0x80, s11, s6, $0xb8;
	[tilespmem:$0xC800] =	vst v63  }
0xf1: {  	_ =	swait.ge [sflag:s7], $0x4000  }
0xf2: {  	[sflag:s7] =	ssyncset.done $0x0  }
0xf3: {  	s0 =	rddreg [dreg:$0xe];
	[sflag:s7] =	ssyncadd.s32 $0xFFFFC000  }
0xf4: {  	[hbm4b:s0+s2] =	stream.linear.scatter [tilespmem:s9], [sflag:$0x3], $0x4000, $0x38;
	[tilespmem:$0xC800] =	vst v63  }
0xf5: {  	_ =	swait.ge [sflag:s8], $0x4000  }
0xf6: {  	[sflag:s8] =	ssyncset.done $0x0  }
0xf7: {  	[sflag:s8] =	ssyncadd.s32 $0xFFFFC000  }
0xf8: {  	[tilespmem:s5], [sflag:$0x2] =	stream.indirect.gather.add.f32 [spmem:s1], $0x80, s10, s6, $0xb8;
	[tilespmem:$0xC800] =	vst v63  }
0xf9: {  	_ =	swait.ge [sflag:s7], $0x4000  }
0xfa: {  	s31 =	sadd.s32 $0xFFFFFFFF, s31;
	[sflag:s7] =	ssyncset.done $0x0  }
0xfb: {  	p2 =	sne.s32 s31, $0x0;
	s0 =	rddreg [dreg:$0xf];
	[sflag:s7] =	ssyncadd.s32 $0xFFFFC000  }
0xfc: {  	[hbm4b:s0+s2] =	stream.linear.scatter [tilespmem:s5], [sflag:$0x3], $0x4000, $0x38;
	[tilespmem:$0xC800] =	vst v63  }
.Ltmp2:
0xfd: {  	_ =	swait.ge [sflag:s4], $0x4000;
	(pc) =	sbr.rel @p2 .LBB2_3-.Ltmp2, $4  }
0xfe: {  	[sflag:s4] =	ssyncset.done $0x0  }
0xff: {  	[sflag:s4] =	ssyncadd.s32 $0xFFFFC000  }
0x100: {  	_ =	swait.ge [sflag:s4], $0x4000  }
0x101: {  	s0 =	rddreg [dreg:$0x5];
	[sflag:s4] =	ssyncset.done $0x0  }
0x102: {  	s30 =	rddreg [dreg:$0x4]  }
.LBB2_5:
0x103: {  	[sflag:s4] =	ssyncadd.s32 @p1 $0xFFFFC000;
	s29 =	simm.s32 @!p0 $0x1C04  }
0x104: {  	[spmem:s28], [sflag:s29] =	dma.local @!p0 [hbm:s0], $0x4000  }
0x105: {  	s0 =	simm.s32 @!p0 $0x4  }
0x106: {  	_ =	swait.ge @!p0 [sflag:s0], $0x4000  }
0x107: {  	[sflag:s0] =	ssyncset.done @!p0 $0x0  }
0x108: {  	s28 =	rddreg [dreg:$0x6];
	[sflag:s0] =	ssyncadd.s32 @!p0 $0xFFFFC000  }
0x109: {  	[spmem:s26], [sflag:s29] =	dma.local @!p0 [hbm:s28], $0x4000  }
0x10a: {  	_ =	swait.ge @!p0 [sflag:s0], $0x4000  }
0x10b: {  	[sflag:s0] =	ssyncset.done @!p0 $0x0  }
0x10c: {  	[sflag:s0] =	ssyncadd.s32 @!p0 $0xFFFFC000  }
0x10d: {  	[bflag:$0x0] =	sbarrier.arrive $0xFFFF  }
0x10e: {  	s29 =	rddreg [dreg:$0x7]  }
0x10f: {  	[tilespmem:s2], [sflag:$0x4] =	stream.linear.gather [hbm4b:s29+s2], $0x400, $0x38;
	[tilespmem:$0xC800] =	vst v63  }
0x110: {  	_ =	swait.ge [sflag:s25], $0x400  }
0x111: {  	[sflag:s25] =	ssyncset.done $0x0  }
0x112: {  	s31 =	rddreg [dreg:$0x8];
	[sflag:s25] =	ssyncadd.s32 $0xFFFFFC00  }
0x113: {  	[tilespmem:s24], [sflag:$0x4] =	stream.linear.gather [hbm4b:s31+s2], $0x400, $0x38;
	[tilespmem:$0xC800] =	vst v63  }
0x114: {  	_ =	swait.ge [sflag:s25], $0x400  }
0x115: {  	[sflag:s25] =	ssyncset.done $0x0  }
0x116: {  	[sflag:s25] =	ssyncadd.s32 $0xFFFFFC00  }
0x117: {  	[tilespmem:s9], [sflag:$0x1] =	stream.indirect.gather [spmem:s3], $0x80, s2, s6, $0xb8;
	[tilespmem:$0xC800] =	vst v63  }
0x118: {  	_ =	swait.ge [sflag:s8], $0x4000  }
0x119: {  	[sflag:s8] =	ssyncset.done $0x0  }
0x11a: {  	[sflag:s8] =	ssyncadd.s32 $0xFFFFC000  }
0x11b: {  	[tilespmem:s9], [sflag:$0x2] =	stream.indirect.gather.add.f32 [spmem:s1], $0x80, s24, s6, $0xb8;
	[tilespmem:$0xC800] =	vst v63  }
0x11c: {  	_ = 	snop  }
0x11d: {  	[tilespmem:s5], [sflag:$0x1] =	stream.indirect.gather [spmem:s3], $0x80, s6, s6, $0xb8;
	[tilespmem:$0xC800] =	vst v63  }
0x11e: {  	_ =	swait.ge [sflag:s7], $0x4000  }
0x11f: {  	[sflag:s7] =	ssyncset.done $0x0  }
0x120: {  	[sflag:s7] =	ssyncadd.s32 $0xFFFFC000  }
0x121: {  	[hbm4b:s17+s2] =	stream.linear.scatter [tilespmem:s9], [sflag:$0x3], $0x4000, $0x38;
	[tilespmem:$0xC800] =	vst v63  }
0x122: {  	_ =	swait.ge [sflag:s8], $0x4000  }
0x123: {  	[sflag:s8] =	ssyncset.done $0x0  }
0x124: {  	[sflag:s8] =	ssyncadd.s32 $0xFFFFC000  }
0x125: {  	[tilespmem:s5], [sflag:$0x2] =	stream.indirect.gather.add.f32 [spmem:s1], $0x80, s23, s6, $0xb8;
	[tilespmem:$0xC800] =	vst v63  }
0x126: {  	_ =	swait.ge [sflag:s4], $0x4000  }
0x127: {  	[sflag:s4] =	ssyncset.done $0x0  }
0x128: {  	[sflag:s4] =	ssyncadd.s32 $0xFFFFC000  }
0x129: {  	[tilespmem:s9], [sflag:$0x1] =	stream.indirect.gather [spmem:s3], $0x80, s22, s6, $0xb8;
	[tilespmem:$0xC800] =	vst v63  }
0x12a: {  	_ =	swait.ge [sflag:s7], $0x4000  }
0x12b: {  	[sflag:s7] =	ssyncset.done $0x0  }
0x12c: {  	s23 =	rddreg [dreg:$0x9];
	[sflag:s7] =	ssyncadd.s32 $0xFFFFC000  }
0x12d: {  	[hbm4b:s23+s2] =	stream.linear.scatter [tilespmem:s5], [sflag:$0x3], $0x4000, $0x38;
	[tilespmem:$0xC800] =	vst v63  }
0x12e: {  	_ =	swait.ge [sflag:s8], $0x4000  }
0x12f: {  	[sflag:s8] =	ssyncset.done $0x0  }
0x130: {  	[sflag:s8] =	ssyncadd.s32 $0xFFFFC000  }
0x131: {  	[tilespmem:s9], [sflag:$0x2] =	stream.indirect.gather.add.f32 [spmem:s1], $0x80, s21, s6, $0xb8;
	[tilespmem:$0xC800] =	vst v63  }
0x132: {  	_ =	swait.ge [sflag:s4], $0x4000  }
0x133: {  	[sflag:s4] =	ssyncset.done $0x0  }
0x134: {  	[sflag:s4] =	ssyncadd.s32 $0xFFFFC000  }
0x135: {  	[tilespmem:s5], [sflag:$0x1] =	stream.indirect.gather [spmem:s3], $0x80, s20, s6, $0xb8;
	[tilespmem:$0xC800] =	vst v63  }
0x136: {  	_ =	swait.ge [sflag:s7], $0x4000  }
0x137: {  	[sflag:s7] =	ssyncset.done $0x0  }
0x138: {  	s24 =	rddreg [dreg:$0xa];
	[sflag:s7] =	ssyncadd.s32 $0xFFFFC000  }
0x139: {  	[hbm4b:s24+s2] =	stream.linear.scatter [tilespmem:s9], [sflag:$0x3], $0x4000, $0x38;
	[tilespmem:$0xC800] =	vst v63  }
0x13a: {  	_ =	swait.ge [sflag:s8], $0x4000  }
0x13b: {  	[sflag:s8] =	ssyncset.done $0x0  }
0x13c: {  	[sflag:s8] =	ssyncadd.s32 $0xFFFFC000  }
0x13d: {  	[tilespmem:s5], [sflag:$0x2] =	stream.indirect.gather.add.f32 [spmem:s1], $0x80, s19, s6, $0xb8;
	[tilespmem:$0xC800] =	vst v63  }
0x13e: {  	_ =	swait.ge [sflag:s4], $0x4000  }
0x13f: {  	[sflag:s4] =	ssyncset.done $0x0  }
0x140: {  	[sflag:s4] =	ssyncadd.s32 $0xFFFFC000  }
0x141: {  	[tilespmem:s9], [sflag:$0x1] =	stream.indirect.gather [spmem:s3], $0x80, s18, s6, $0xb8;
	[tilespmem:$0xC800] =	vst v63  }
0x142: {  	_ =	swait.ge [sflag:s7], $0x4000  }
0x143: {  	[sflag:s7] =	ssyncset.done $0x0  }
0x144: {  	s25 =	rddreg [dreg:$0xb];
	[sflag:s7] =	ssyncadd.s32 $0xFFFFC000  }
0x145: {  	[hbm4b:s25+s2] =	stream.linear.scatter [tilespmem:s5], [sflag:$0x3], $0x4000, $0x38;
	[tilespmem:$0xC800] =	vst v63  }
0x146: {  	_ =	swait.ge [sflag:s8], $0x4000  }
0x147: {  	[sflag:s8] =	ssyncset.done $0x0  }
0x148: {  	[sflag:s8] =	ssyncadd.s32 $0xFFFFC000  }
0x149: {  	[tilespmem:s9], [sflag:$0x2] =	stream.indirect.gather.add.f32 [spmem:s1], $0x80, s16, s6, $0xb8;
	[tilespmem:$0xC800] =	vst v63  }
0x14a: {  	_ =	swait.ge [sflag:s4], $0x4000  }
0x14b: {  	[sflag:s4] =	ssyncset.done $0x0  }
0x14c: {  	[sflag:s4] =	ssyncadd.s32 $0xFFFFC000  }
0x14d: {  	[tilespmem:s5], [sflag:$0x1] =	stream.indirect.gather [spmem:s3], $0x80, s15, s6, $0xb8;
	[tilespmem:$0xC800] =	vst v63  }
0x14e: {  	_ =	swait.ge [sflag:s7], $0x4000  }
0x14f: {  	[sflag:s7] =	ssyncset.done $0x0  }
0x150: {  	s26 =	rddreg [dreg:$0xc];
	[sflag:s7] =	ssyncadd.s32 $0xFFFFC000  }
0x151: {  	[hbm4b:s26+s2] =	stream.linear.scatter [tilespmem:s9], [sflag:$0x3], $0x4000, $0x38;
	[tilespmem:$0xC800] =	vst v63  }
0x152: {  	_ =	swait.ge [sflag:s8], $0x4000  }
0x153: {  	[sflag:s8] =	ssyncset.done $0x0  }
0x154: {  	[sflag:s8] =	ssyncadd.s32 $0xFFFFC000  }
0x155: {  	[tilespmem:s5], [sflag:$0x2] =	stream.indirect.gather.add.f32 [spmem:s1], $0x80, s14, s6, $0xb8;
	[tilespmem:$0xC800] =	vst v63  }
0x156: {  	_ =	swait.ge [sflag:s4], $0x4000  }
0x157: {  	[sflag:s4] =	ssyncset.done $0x0  }
0x158: {  	[sflag:s4] =	ssyncadd.s32 $0xFFFFC000  }
0x159: {  	[tilespmem:s9], [sflag:$0x1] =	stream.indirect.gather [spmem:s3], $0x80, s13, s6, $0xb8;
	[tilespmem:$0xC800] =	vst v63  }
0x15a: {  	_ =	swait.ge [sflag:s7], $0x4000  }
0x15b: {  	[sflag:s7] =	ssyncset.done $0x0  }
0x15c: {  	s28 =	rddreg [dreg:$0xd];
	[sflag:s7] =	ssyncadd.s32 $0xFFFFC000  }
0x15d: {  	[hbm4b:s28+s2] =	stream.linear.scatter [tilespmem:s5], [sflag:$0x3], $0x4000, $0x38;
	[tilespmem:$0xC800] =	vst v63  }
0x15e: {  	_ =	swait.ge [sflag:s8], $0x4000  }
0x15f: {  	[sflag:s8] =	ssyncset.done $0x0  }
0x160: {  	[sflag:s8] =	ssyncadd.s32 $0xFFFFC000  }
0x161: {  	[tilespmem:s9], [sflag:$0x2] =	stream.indirect.gather.add.f32 [spmem:s1], $0x80, s12, s6, $0xb8;
	[tilespmem:$0xC800] =	vst v63  }
0x162: {  	_ =	swait.ge [sflag:s4], $0x4000  }
0x163: {  	[sflag:s4] =	ssyncset.done $0x0  }
0x164: {  	[sflag:s4] =	ssyncadd.s32 $0xFFFFC000  }
0x165: {  	[tilespmem:s5], [sflag:$0x1] =	stream.indirect.gather [spmem:s3], $0x80, s11, s6, $0xb8;
	[tilespmem:$0xC800] =	vst v63  }
0x166: {  	_ =	swait.ge [sflag:s7], $0x4000  }
0x167: {  	[sflag:s7] =	ssyncset.done $0x0  }
0x168: {  	s29 =	rddreg [dreg:$0xe];
	[sflag:s7] =	ssyncadd.s32 $0xFFFFC000  }
0x169: {  	[hbm4b:s29+s2] =	stream.linear.scatter [tilespmem:s9], [sflag:$0x3], $0x4000, $0x38;
	[tilespmem:$0xC800] =	vst v63  }
0x16a: {  	_ =	swait.ge [sflag:s8], $0x4000  }
0x16b: {  	[sflag:s8] =	ssyncset.done $0x0  }
0x16c: {  	[sflag:s8] =	ssyncadd.s32 $0xFFFFC000  }
0x16d: {  	[tilespmem:s5], [sflag:$0x2] =	stream.indirect.gather.add.f32 [spmem:s1], $0x80, s10, s6, $0xb8;
	[tilespmem:$0xC800] =	vst v63  }
0x16e: {  	_ =	swait.ge [sflag:s7], $0x4000  }
0x16f: {  	[sflag:s7] =	ssyncset.done $0x0  }
0x170: {  	s31 =	rddreg [dreg:$0xf];
	[sflag:s7] =	ssyncadd.s32 $0xFFFFC000  }
0x171: {  	[hbm4b:s31+s2] =	stream.linear.scatter [tilespmem:s5], [sflag:$0x3], $0x4000, $0x38;
	[tilespmem:$0xC800] =	vst v63  }
0x172: {  	_ =	swait.ge [sflag:s4], $0x4000  }
0x173: {  	[sflag:s4] =	ssyncset.done $0x0  }
0x174: {  	[sflag:s4] =	ssyncadd.s32 $0xFFFFC000  }
0x175: {  	_ =	swait.ge [sflag:s4], $0x4000  }
0x176: {  	[sflag:s4] =	ssyncset.done $0x0  }
0x177: {  	[sflag:s4] =	ssyncadd.s32 $0xFFFFC000  }
0x178: {  	_ =	sfence.sel $0x180000  }
0x179: {  	[bflag:$0x0] =	sbarrier.arrive $0xFFFF  }
0x17a: {  	_ =	strace $0x90000047  }
0x17b: {  	s0 =	sadd.s32 @!p0 $0x100000, s30;
	[bflag:$0x2] =	sbarrier.arrive $0xFFFF  }
0x17c: {  	[sflag:s0] =	ssyncadd.tile.s32 @!p0 $0x1;
	_ =	shalt  }
.LBB2_2:
.Ltmp3:
0x17d: {  	(pc) =	sbr.rel .LBB2_5-.Ltmp3, $2  }
0x17e: {  	_ =	sdelay $0x2  }
0x17f: {  	s30 =	rddreg [dreg:$0x4]  }
.Lfunc_end2:
_tile_overlayer_lowered:
.L_overlay_start_2:
0x180: {  	(tag) =	ssettag $0x2  }
0x181: {  	s0 =	rddreg [dreg:$0x0];
	s2 =	stileid.u32  }
0x182: {  	s1 =	rddreg [dreg:$0x1];
	p0 =	sne.s32 s2, $0x0  }
0x183: {  	s3 =	rddreg [dreg:$0x2];
	[bflag:$0x3] =	sbarrier.arrive $0xFFFF;
	s2 =	simm.s32 @!p0 $0x1C04  }
0x184: {  	[timem:s3], [sflag:s2] =	dma.local @!p0 [hbm:s0], s1  }
0x185: {  	s0 =	simm.s32 @!p0 $0x4  }
0x186: {  	_ =	swait.ge @!p0 [sflag:s0], s1  }
0x187: {  	s1 =	ssub.s32 @!p0 $0x0, s1;
	[sflag:s0] =	ssyncset.done @!p0 $0x0  }
0x188: {  	[sflag:s0] =	ssyncadd.s32 @!p0 s1  }
0x189: {  	[bflag:$0x3] =	sbarrier.arrive $0xFFFF  }
0x18a: {  	_ =	shalt  }

</sc_bundles>
